<compile_context>
chip_gen: v7x
topology: tpu7x:2x2x1
jax: 0.10.2.dev20260603
libtpu: 0.0.44.dev20260713+nightly
codegen_flags: <defaults>
</compile_context>

<pallas_src>
import functools

import jax
import jax.numpy as jnp
from jax import lax

from jax.experimental import pallas as pl
from jax.experimental.pallas import tpu as pltpu
from jax.experimental.pallas import tpu_sc as plsc

B = 16384
F = 26
VOC = 100000
K = 64
NF = 13

NC = 2
NS = 16
NW = NC * NS
ROWS_PER_W = B // NW
CHUNK = 32
NCHUNK = ROWS_PER_W // CHUNK
GC = CHUNK * F


def _sc_gather_reduce(vc_flat, ec_flat, idx_flat, idx8_flat):
    mesh = plsc.VectorSubcoreMesh(core_axis_name="c", subcore_axis_name="s")

    @functools.partial(
        pl.kernel,
        mesh=mesh,
        compiler_params=pltpu.CompilerParams(use_tc_tiling_on_sc=False),
        out_type=(
            jax.ShapeDtypeStruct((B, K), jnp.float32),
            jax.ShapeDtypeStruct((B, 16), jnp.float32),
            jax.ShapeDtypeStruct((B * F, 8), jnp.float32),
        ),
        scratch_types=[
            pltpu.VMEM((GC,), jnp.int32),
            pltpu.VMEM((GC,), jnp.int32),
            pltpu.VMEM((GC, K), jnp.float32),
            pltpu.VMEM((GC, 8), jnp.float32),
            pltpu.VMEM((CHUNK, K), jnp.float32),
            pltpu.VMEM((CHUNK, 16), jnp.float32),
            pltpu.SemaphoreType.DMA,
            pltpu.SemaphoreType.DMA,
        ],
    )
    def k(vc_hbm, ec_hbm, idx_hbm, idx8_hbm, scat_hbm, qpart_hbm, ecg_hbm,
          idx_v, idx8_v, rows_v, ecg_v, scat_v, qpart_v, sem1, sem2):
        wid = lax.axis_index("s") * NC + lax.axis_index("c")
        wbase = wid * ROWS_PER_W

        def chunk_body(c, carry):
            rbase = wbase + c * CHUNK
            pltpu.sync_copy(idx_hbm.at[pl.ds(rbase * F, GC)], idx_v)
            pltpu.sync_copy(idx8_hbm.at[pl.ds(rbase * F, GC)], idx8_v)
            cp1 = pltpu.async_copy(vc_hbm.at[idx_v], rows_v, sem1)
            cp2 = pltpu.async_copy(ec_hbm.at[idx8_v], ecg_v, sem2)
            cp1.wait()
            cp2.wait()

            def row_body(r, carry2):
                rb = r * F
                acc = [None] * 4
                qac = [None] * 4
                for f in range(F):
                    for j in range(4):
                        v = rows_v[rb + f, pl.ds(j * 16, 16)]
                        if f == 0:
                            acc[j] = v
                            qac[j] = v * v
                        else:
                            acc[j] = acc[j] + v
                            qac[j] = qac[j] + v * v
                for j in range(4):
                    scat_v[r, pl.ds(j * 16, 16)] = acc[j]
                qpart_v[r, :] = (qac[0] + qac[1]) + (qac[2] + qac[3])
                return carry2

            lax.fori_loop(0, CHUNK, row_body, 0)
            pltpu.sync_copy(scat_v, scat_hbm.at[pl.ds(rbase, CHUNK)])
            pltpu.sync_copy(qpart_v, qpart_hbm.at[pl.ds(rbase, CHUNK)])
            pltpu.sync_copy(ecg_v, ecg_hbm.at[pl.ds(rbase * F, GC)])
            return carry

        lax.fori_loop(0, NCHUNK, chunk_body, 0)

    return k(vc_flat, ec_flat, idx_flat, idx8_flat)


def _tc_combine_body(xn_ref, wn_ref, vn_ref, scat_ref, qpart_ref, ecg_ref,
                     msk_ref, bias_ref, out_ref):
    xn = xn_ref[...]
    vn = vn_ref[...]
    s = jnp.dot(xn, vn, preferred_element_type=jnp.float32) + scat_ref[...]
    ss = jnp.sum(s * s, axis=1, keepdims=True)
    qc = jnp.sum(qpart_ref[...], axis=1, keepdims=True)
    ecsel = ecg_ref[...] * msk_ref[...].astype(jnp.float32)
    lc = jnp.sum(ecsel, axis=1, keepdims=True)
    vnsq = jnp.sum(vn * vn, axis=1, keepdims=True)
    qn = jnp.dot(xn * xn, vnsq, preferred_element_type=jnp.float32)
    lin = jnp.dot(xn, wn_ref[...], preferred_element_type=jnp.float32)
    out_ref[...] = lin + lc + 0.5 * (ss - (qn + qc)) + bias_ref[0, 0]


def _tc_combine(xn, Wn, Vn, scat, qpart, ecg, msk, bias):
    blk = 2048
    grid = B // blk
    return pl.pallas_call(
        _tc_combine_body,
        grid=(grid,),
        in_specs=[
            pl.BlockSpec((blk, NF), lambda i: (i, 0)),
            pl.BlockSpec((NF, 1), lambda i: (0, 0)),
            pl.BlockSpec((NF, K), lambda i: (0, 0)),
            pl.BlockSpec((blk, K), lambda i: (i, 0)),
            pl.BlockSpec((blk, 16), lambda i: (i, 0)),
            pl.BlockSpec((blk, F * 8), lambda i: (i, 0)),
            pl.BlockSpec((blk, F * 8), lambda i: (i, 0)),
            pl.BlockSpec((1, 1), lambda i: (0, 0)),
        ],
        out_specs=pl.BlockSpec((blk, 1), lambda i: (i, 0)),
        out_shape=jax.ShapeDtypeStruct((B, 1), jnp.float32),
    )(xn, Wn[:, None], Vn, scat, qpart, ecg, msk, bias[:, None])


def kernel(xn, xc, Wn, Vn, Ec, Vc, bias):
    foff = jnp.arange(F, dtype=jnp.int32)[None, :]
    idx_flat = (xc + foff * VOC).reshape(-1)
    idx8 = ((xc >> 3) + foff * (VOC // 8)).reshape(-1)
    vc_flat = Vc.reshape(F * VOC, K)
    ec_gran = Ec.reshape(F * VOC // 8, 8)
    scat, qpart, ecg = _sc_gather_reduce(vc_flat, ec_gran, idx_flat, idx8)
    msk = (
        (xc & 7)[:, :, None] == jnp.arange(8, dtype=jnp.int32)[None, None, :]
    ).reshape(B, F * 8).astype(jnp.bfloat16)
    return _tc_combine(xn, Wn, Vn, scat, qpart, ecg.reshape(B, F * 8), msk,
                       bias)

# --- scband reference (transcript-rebuilt; emitter-appended) ---
"""Pipeline reference for scband-factorization-machine-5050881540346 (READ-ONLY COPY).

The authoritative reference and input builder live on the scoring server;
editing this copy changes nothing except your own understanding.
"""

import jax, jax.numpy as jnp
import numpy as np

B = 16384
NUM_FEATURE = 13
NUM_FIELDS = 26
VOCAB = 100000
K = 64


def setup_inputs(seed: int = 0) -> dict:
    key = jax.random.key(seed)
    ks = jax.random.split(key, 7)
    xn = jax.random.normal(ks[0], (B, NUM_FEATURE), dtype=jnp.float32)
    xc = jax.random.randint(ks[1], (B, NUM_FIELDS), 0, VOCAB, dtype=jnp.int32)
    # numerical_fc: Linear(num_feature, 1, bias=False) -> weight (1, num_feature); store as (num_feature,)
    Wn = jax.random.normal(ks[2], (NUM_FEATURE,), dtype=jnp.float32) * 0.01
    # numerical_latent: num_feature x Linear(1, k, bias=False) -> stacked (num_feature, k)
    Vn = jax.random.normal(ks[3], (NUM_FEATURE, K), dtype=jnp.float32) * 0.01
    # categorical_embed: NUM_FIELDS x Embedding(vocab, 1) -> stacked (NUM_FIELDS, vocab)
    Ec = jax.random.normal(ks[4], (NUM_FIELDS, VOCAB), dtype=jnp.float32) * 0.01
    # categorical_latent: NUM_FIELDS x Embedding(vocab, k) -> stacked (NUM_FIELDS, vocab, k)
    Vc = jax.random.normal(ks[5], (NUM_FIELDS, VOCAB, K), dtype=jnp.float32) * 0.01
    bias = jnp.zeros((1,), dtype=jnp.float32)
    return {"xn": xn, "xc": xc, "Wn": Wn, "Vn": Vn, "Ec": Ec, "Vc": Vc, "bias": bias}


def reference(xn, xc, Wn, Vn, Ec, Vc, bias):
    field_idx = jnp.arange(NUM_FIELDS)
    # linear part
    numerical_linear = xn @ Wn[:, None]  # (B, 1)
    cat_lin = Ec[field_idx[None, :], xc]  # gather per-field scalar weight -> (B, NUM_FIELDS)
    categorical_linear = jnp.sum(cat_lin, axis=1, keepdims=True)  # (B, 1)
    linear_part = numerical_linear + categorical_linear
    # latent embeddings
    num_emb = xn[:, :, None] * Vn[None, :, :]  # (B, NUM_FEATURE, K)
    cat_emb = Vc[field_idx[None, :], xc]  # embedding gather -> (B, NUM_FIELDS, K)
    emb = jnp.concatenate([num_emb, cat_emb], axis=1)  # (B, F, K)
    square_sum = jnp.sum(emb.sum(axis=1) ** 2, axis=1)  # (B,)
    sum_square = jnp.sum(emb ** 2, axis=(1, 2))  # (B,)
    interaction = (square_sum - sum_square) / 2.0
    logit = linear_part + interaction[:, None] + bias
    return logit

if __name__ == "__main__":
    import jax
    _d = setup_inputs()
    print(jax.jit(kernel)(*tuple(_d.values())))

</pallas_src>

<mosaic_0001>
#map = affine_map<(d0, d1) -> (0, 0)>
#map1 = affine_map<(d0, d1) -> (0)>
module attributes {stable_mosaic.version = 14 : i64} {
  func.func @k(%arg0: i32, %arg1: i32, %arg2: memref<2600000x64xf32, #tpu.memory_space<hbm>>, %arg3: memref<325000x8xf32, #tpu.memory_space<hbm>>, %arg4: memref<425984xi32, #tpu.memory_space<hbm>>, %arg5: memref<425984xi32, #tpu.memory_space<hbm>>, %arg6: memref<16384x64xf32, #tpu.memory_space<hbm>>, %arg7: memref<16384x16xf32, #tpu.memory_space<hbm>>, %arg8: memref<425984x8xf32, #tpu.memory_space<hbm>>, %arg9: memref<832xi32, #tpu.memory_space<vmem>>, %arg10: memref<832xi32, #tpu.memory_space<vmem>>, %arg11: memref<832x64xf32, #tpu.memory_space<vmem>>, %arg12: memref<832x8xf32, #tpu.memory_space<vmem>>, %arg13: memref<32x64xf32, #tpu.memory_space<vmem>>, %arg14: memref<32x16xf32, #tpu.memory_space<vmem>>, %arg15: memref<!tpu.dma_semaphore, #tpu.memory_space<semaphore_mem>>, %arg16: memref<!tpu.dma_semaphore, #tpu.memory_space<semaphore_mem>>) attributes {dimension_semantics = [#tpu.dimension_semantics<core_parallel>, #tpu.dimension_semantics<subcore_parallel>], iteration_bounds = array<i64: 2, 16>, scalar_prefetch = 0 : i64, scratch_operands = 8 : i64, tpu.core_type = #tpu.core_type<sc_vector_subcore>, window_params = [{transform_indices = #map}, {transform_indices = #map}, {transform_indices = #map1}, {transform_indices = #map1}, {transform_indices = #map}, {transform_indices = #map}, {transform_indices = #map}]} {
    %mul3A = arith.constant 2 : i32
    %mul3A_0 = arith.muli %arg1, %mul3A : i32
    %add3A = arith.addi %mul3A_0, %arg0 : i32
    %mul3A_1 = arith.constant 512 : i32
    %mul3A_2 = arith.muli %add3A, %mul3A_1 : i32
    %scan3A = arith.constant 0 : i32
    %scan3A_3 = arith.constant 0 : i32
    %scan3A_4 = arith.constant 16 : i32
    %scan3A_5 = arith.addi %scan3A_3, %scan3A_4 : i32
    %scan3A_6 = arith.constant 1 : i32
    scf.for %scan3A_8 = %scan3A_3 to %scan3A_5 step %scan3A_6  : i32 {
      %mul3A_9 = arith.constant 32 : i32
      %mul3A_10 = arith.muli %scan3A_8, %mul3A_9 : i32
      %add3A_11 = arith.addi %mul3A_2, %mul3A_10 : i32
      %mul3A_12 = arith.constant 26 : i32
      %mul3A_13 = arith.muli %add3A_11, %mul3A_12 : i32
      "tpu.region"() ({
        %run_scoped3A = tpu.sem_alloc : memref<!tpu.dma_semaphore, #tpu.memory_space<semaphore_mem>>
        %dma_start3A_34 = tpu.memref_slice %arg4[%mul3A_13] : memref<425984xi32, #tpu.memory_space<hbm>> -> memref<832xi32, #tpu.memory_space<hbm>>
        %dma_start3A_35 = tpu.memref_slice %arg4[%mul3A_13] : memref<425984xi32, #tpu.memory_space<hbm>> -> memref<832xi32, #tpu.memory_space<hbm>>
        tpu.enqueue_dma source(%dma_start3A_35 : memref<832xi32, #tpu.memory_space<hbm>>) target(%arg9 : memref<832xi32, #tpu.memory_space<vmem>>) target_semaphore(%run_scoped3A : memref<!tpu.dma_semaphore, #tpu.memory_space<semaphore_mem>>)
        %dma_wait3A_36 = tpu.memref_slice %arg4[%mul3A_13] : memref<425984xi32, #tpu.memory_space<hbm>> -> memref<832xi32, #tpu.memory_space<hbm>>
        %dma_wait3A_37 = tpu.memref_slice %arg4[%mul3A_13] : memref<425984xi32, #tpu.memory_space<hbm>> -> memref<832xi32, #tpu.memory_space<hbm>>
        tpu.wait_dma2 semaphore(%run_scoped3A : memref<!tpu.dma_semaphore, #tpu.memory_space<semaphore_mem>>) src(%dma_wait3A_37 : memref<832xi32, #tpu.memory_space<hbm>>) dst(%arg9 : memref<832xi32, #tpu.memory_space<vmem>>)
        tpu.yield
      }) : () -> ()
      %mul3A_14 = arith.constant 26 : i32
      %mul3A_15 = arith.muli %add3A_11, %mul3A_14 : i32
      "tpu.region"() ({
        %run_scoped3A = tpu.sem_alloc : memref<!tpu.dma_semaphore, #tpu.memory_space<semaphore_mem>>
        %dma_start3A_34 = tpu.memref_slice %arg5[%mul3A_15] : memref<425984xi32, #tpu.memory_space<hbm>> -> memref<832xi32, #tpu.memory_space<hbm>>
        %dma_start3A_35 = tpu.memref_slice %arg5[%mul3A_15] : memref<425984xi32, #tpu.memory_space<hbm>> -> memref<832xi32, #tpu.memory_space<hbm>>
        tpu.enqueue_dma source(%dma_start3A_35 : memref<832xi32, #tpu.memory_space<hbm>>) target(%arg10 : memref<832xi32, #tpu.memory_space<vmem>>) target_semaphore(%run_scoped3A : memref<!tpu.dma_semaphore, #tpu.memory_space<semaphore_mem>>)
        %dma_wait3A_36 = tpu.memref_slice %arg5[%mul3A_15] : memref<425984xi32, #tpu.memory_space<hbm>> -> memref<832xi32, #tpu.memory_space<hbm>>
        %dma_wait3A_37 = tpu.memref_slice %arg5[%mul3A_15] : memref<425984xi32, #tpu.memory_space<hbm>> -> memref<832xi32, #tpu.memory_space<hbm>>
        tpu.wait_dma2 semaphore(%run_scoped3A : memref<!tpu.dma_semaphore, #tpu.memory_space<semaphore_mem>>) src(%dma_wait3A_37 : memref<832xi32, #tpu.memory_space<hbm>>) dst(%arg10 : memref<832xi32, #tpu.memory_space<vmem>>)
        tpu.yield
      }) : () -> ()
      %dma_start3A = arith.constant 0 : i32
      %dma_start3A_16 = arith.constant 0 : i32
      %dma_start3A_17 = tpu.memref_slice %arg2[%dma_start3A, %dma_start3A_16] : memref<2600000x64xf32, #tpu.memory_space<hbm>> -> memref<2600000x64xf32, #tpu.memory_space<hbm>>
      tpu.enqueue_indirect_dma source(%dma_start3A_17 : memref<2600000x64xf32, #tpu.memory_space<hbm>>) target(%arg11 : memref<832x64xf32, #tpu.memory_space<vmem>>) offsets(%arg9 : memref<832xi32, #tpu.memory_space<vmem>>) semaphore(%arg15 : memref<!tpu.dma_semaphore, #tpu.memory_space<semaphore_mem>>)
      %dma_start3A_18 = arith.constant 0 : i32
      %dma_start3A_19 = arith.constant 0 : i32
      %dma_start3A_20 = tpu.memref_slice %arg3[%dma_start3A_18, %dma_start3A_19] : memref<325000x8xf32, #tpu.memory_space<hbm>> -> memref<325000x8xf32, #tpu.memory_space<hbm>>
      tpu.enqueue_indirect_dma source(%dma_start3A_20 : memref<325000x8xf32, #tpu.memory_space<hbm>>) target(%arg12 : memref<832x8xf32, #tpu.memory_space<vmem>>) offsets(%arg10 : memref<832xi32, #tpu.memory_space<vmem>>) semaphore(%arg16 : memref<!tpu.dma_semaphore, #tpu.memory_space<semaphore_mem>>)
      %dma_wait3A = arith.constant 0 : i32
      %dma_wait3A_21 = arith.constant 0 : i32
      %dma_wait3A_22 = tpu.memref_slice %arg2[%dma_wait3A, %dma_wait3A_21] : memref<2600000x64xf32, #tpu.memory_space<hbm>> -> memref<2600000x64xf32, #tpu.memory_space<hbm>>
      tpu.wait_indirect_dma semaphore(%arg15 : memref<!tpu.dma_semaphore, #tpu.memory_space<semaphore_mem>>) src(%dma_wait3A_22 : memref<2600000x64xf32, #tpu.memory_space<hbm>>) dst(%arg11 : memref<832x64xf32, #tpu.memory_space<vmem>>)
      %dma_wait3A_23 = arith.constant 0 : i32
      %dma_wait3A_24 = arith.constant 0 : i32
      %dma_wait3A_25 = tpu.memref_slice %arg3[%dma_wait3A_23, %dma_wait3A_24] : memref<325000x8xf32, #tpu.memory_space<hbm>> -> memref<325000x8xf32, #tpu.memory_space<hbm>>
      tpu.wait_indirect_dma semaphore(%arg16 : memref<!tpu.dma_semaphore, #tpu.memory_space<semaphore_mem>>) src(%dma_wait3A_25 : memref<325000x8xf32, #tpu.memory_space<hbm>>) dst(%arg12 : memref<832x8xf32, #tpu.memory_space<vmem>>)
      %scan3A_26 = arith.constant 0 : i32
      %scan3A_27 = arith.constant 0 : i32
      %scan3A_28 = arith.constant 32 : i32
      %scan3A_29 = arith.addi %scan3A_27, %scan3A_28 : i32
      %scan3A_30 = arith.constant 1 : i32
      scf.for %scan3A_34 = %scan3A_27 to %scan3A_29 step %scan3A_30  : i32 {
        %mul3A_35 = arith.constant 26 : i32
        %mul3A_36 = arith.muli %scan3A_34, %mul3A_35 : i32
        %add3A_37 = arith.constant 0 : i32
        %add3A_38 = arith.addi %mul3A_36, %add3A_37 : i32
        %get3A = arith.index_cast %add3A_38 : i32 to index
        %get3A_39 = arith.constant 0 : index
        %get3A_40 = tpu.vector_load %arg11[%get3A, %get3A_39] {strides = array<i32>} : memref<832x64xf32, #tpu.memory_space<vmem>>, vector<1x16xf32>,
        %get3A_41 = vector.shape_cast %get3A_40 : vector<1x16xf32> to vector<16xf32>
        %mul3A_42 = arith.mulf %get3A_41, %get3A_41 : vector<16xf32>
        %add3A_43 = arith.constant 0 : i32
        %add3A_44 = arith.addi %mul3A_36, %add3A_43 : i32
        %get3A_45 = arith.index_cast %add3A_44 : i32 to index
        %get3A_46 = arith.constant 16 : index
        %get3A_47 = tpu.vector_load %arg11[%get3A_45, %get3A_46] {strides = array<i32>} : memref<832x64xf32, #tpu.memory_space<vmem>>, vector<1x16xf32>,
        %get3A_48 = vector.shape_cast %get3A_47 : vector<1x16xf32> to vector<16xf32>
        %mul3A_49 = arith.mulf %get3A_48, %get3A_48 : vector<16xf32>
        %add3A_50 = arith.constant 0 : i32
        %add3A_51 = arith.addi %mul3A_36, %add3A_50 : i32
        %get3A_52 = arith.index_cast %add3A_51 : i32 to index
        %get3A_53 = arith.constant 32 : index
        %get3A_54 = tpu.vector_load %arg11[%get3A_52, %get3A_53] {strides = array<i32>} : memref<832x64xf32, #tpu.memory_space<vmem>>, vector<1x16xf32>,
        %get3A_55 = vector.shape_cast %get3A_54 : vector<1x16xf32> to vector<16xf32>
        %mul3A_56 = arith.mulf %get3A_55, %get3A_55 : vector<16xf32>
        %add3A_57 = arith.constant 0 : i32
        %add3A_58 = arith.addi %mul3A_36, %add3A_57 : i32
        %get3A_59 = arith.index_cast %add3A_58 : i32 to index
        %get3A_60 = arith.constant 48 : index
        %get3A_61 = tpu.vector_load %arg11[%get3A_59, %get3A_60] {strides = array<i32>} : memref<832x64xf32, #tpu.memory_space<vmem>>, vector<1x16xf32>,
        %get3A_62 = vector.shape_cast %get3A_61 : vector<1x16xf32> to vector<16xf32>
        %mul3A_63 = arith.mulf %get3A_62, %get3A_62 : vector<16xf32>
        %add3A_64 = arith.constant 1 : i32
        %add3A_65 = arith.addi %mul3A_36, %add3A_64 : i32
        %get3A_66 = arith.index_cast %add3A_65 : i32 to index
        %get3A_67 = arith.constant 0 : index
        %get3A_68 = tpu.vector_load %arg11[%get3A_66, %get3A_67] {strides = array<i32>} : memref<832x64xf32, #tpu.memory_space<vmem>>, vector<1x16xf32>,
        %get3A_69 = vector.shape_cast %get3A_68 : vector<1x16xf32> to vector<16xf32>
        %add3A_70 = arith.addf %get3A_41, %get3A_69 : vector<16xf32>
        %mul3A_71 = arith.mulf %get3A_69, %get3A_69 : vector<16xf32>
        %add3A_72 = arith.addf %mul3A_42, %mul3A_71 : vector<16xf32>
        %add3A_73 = arith.constant 1 : i32
        %add3A_74 = arith.addi %mul3A_36, %add3A_73 : i32
        %get3A_75 = arith.index_cast %add3A_74 : i32 to index
        %get3A_76 = arith.constant 16 : index
        %get3A_77 = tpu.vector_load %arg11[%get3A_75, %get3A_76] {strides = array<i32>} : memref<832x64xf32, #tpu.memory_space<vmem>>, vector<1x16xf32>,
        %get3A_78 = vector.shape_cast %get3A_77 : vector<1x16xf32> to vector<16xf32>
        %add3A_79 = arith.addf %get3A_48, %get3A_78 : vector<16xf32>
        %mul3A_80 = arith.mulf %get3A_78, %get3A_78 : vector<16xf32>
        %add3A_81 = arith.addf %mul3A_49, %mul3A_80 : vector<16xf32>
        %add3A_82 = arith.constant 1 : i32
        %add3A_83 = arith.addi %mul3A_36, %add3A_82 : i32
        %get3A_84 = arith.index_cast %add3A_83 : i32 to index
        %get3A_85 = arith.constant 32 : index
        %get3A_86 = tpu.vector_load %arg11[%get3A_84, %get3A_85] {strides = array<i32>} : memref<832x64xf32, #tpu.memory_space<vmem>>, vector<1x16xf32>,
        %get3A_87 = vector.shape_cast %get3A_86 : vector<1x16xf32> to vector<16xf32>
        %add3A_88 = arith.addf %get3A_55, %get3A_87 : vector<16xf32>
        %mul3A_89 = arith.mulf %get3A_87, %get3A_87 : vector<16xf32>
        %add3A_90 = arith.addf %mul3A_56, %mul3A_89 : vector<16xf32>
        %add3A_91 = arith.constant 1 : i32
        %add3A_92 = arith.addi %mul3A_36, %add3A_91 : i32
        %get3A_93 = arith.index_cast %add3A_92 : i32 to index
        %get3A_94 = arith.constant 48 : index
        %get3A_95 = tpu.vector_load %arg11[%get3A_93, %get3A_94] {strides = array<i32>} : memref<832x64xf32, #tpu.memory_space<vmem>>, vector<1x16xf32>,
        %get3A_96 = vector.shape_cast %get3A_95 : vector<1x16xf32> to vector<16xf32>
        %add3A_97 = arith.addf %get3A_62, %get3A_96 : vector<16xf32>
        %mul3A_98 = arith.mulf %get3A_96, %get3A_96 : vector<16xf32>
        %add3A_99 = arith.addf %mul3A_63, %mul3A_98 : vector<16xf32>
        %add3A_100 = arith.constant 2 : i32
        %add3A_101 = arith.addi %mul3A_36, %add3A_100 : i32
        %get3A_102 = arith.index_cast %add3A_101 : i32 to index
        %get3A_103 = arith.constant 0 : index
        %get3A_104 = tpu.vector_load %arg11[%get3A_102, %get3A_103] {strides = array<i32>} : memref<832x64xf32, #tpu.memory_space<vmem>>, vector<1x16xf32>,
        %get3A_105 = vector.shape_cast %get3A_104 : vector<1x16xf32> to vector<16xf32>
        %add3A_106 = arith.addf %add3A_70, %get3A_105 : vector<16xf32>
        %mul3A_107 = arith.mulf %get3A_105, %get3A_105 : vector<16xf32>
        %add3A_108 = arith.addf %add3A_72, %mul3A_107 : vector<16xf32>
        %add3A_109 = arith.constant 2 : i32
        %add3A_110 = arith.addi %mul3A_36, %add3A_109 : i32
        %get3A_111 = arith.index_cast %add3A_110 : i32 to index
        %get3A_112 = arith.constant 16 : index
        %get3A_113 = tpu.vector_load %arg11[%get3A_111, %get3A_112] {strides = array<i32>} : memref<832x64xf32, #tpu.memory_space<vmem>>, vector<1x16xf32>,
        %get3A_114 = vector.shape_cast %get3A_113 : vector<1x16xf32> to vector<16xf32>
        %add3A_115 = arith.addf %add3A_79, %get3A_114 : vector<16xf32>
        %mul3A_116 = arith.mulf %get3A_114, %get3A_114 : vector<16xf32>
        %add3A_117 = arith.addf %add3A_81, %mul3A_116 : vector<16xf32>
        %add3A_118 = arith.constant 2 : i32
        %add3A_119 = arith.addi %mul3A_36, %add3A_118 : i32
        %get3A_120 = arith.index_cast %add3A_119 : i32 to index
        %get3A_121 = arith.constant 32 : index
        %get3A_122 = tpu.vector_load %arg11[%get3A_120, %get3A_121] {strides = array<i32>} : memref<832x64xf32, #tpu.memory_space<vmem>>, vector<1x16xf32>,
        %get3A_123 = vector.shape_cast %get3A_122 : vector<1x16xf32> to vector<16xf32>
        %add3A_124 = arith.addf %add3A_88, %get3A_123 : vector<16xf32>
        %mul3A_125 = arith.mulf %get3A_123, %get3A_123 : vector<16xf32>
        %add3A_126 = arith.addf %add3A_90, %mul3A_125 : vector<16xf32>
        %add3A_127 = arith.constant 2 : i32
        %add3A_128 = arith.addi %mul3A_36, %add3A_127 : i32
        %get3A_129 = arith.index_cast %add3A_128 : i32 to index
        %get3A_130 = arith.constant 48 : index
        %get3A_131 = tpu.vector_load %arg11[%get3A_129, %get3A_130] {strides = array<i32>} : memref<832x64xf32, #tpu.memory_space<vmem>>, vector<1x16xf32>,
        %get3A_132 = vector.shape_cast %get3A_131 : vector<1x16xf32> to vector<16xf32>
        %add3A_133 = arith.addf %add3A_97, %get3A_132 : vector<16xf32>
        %mul3A_134 = arith.mulf %get3A_132, %get3A_132 : vector<16xf32>
        %add3A_135 = arith.addf %add3A_99, %mul3A_134 : vector<16xf32>
        %add3A_136 = arith.constant 3 : i32
        %add3A_137 = arith.addi %mul3A_36, %add3A_136 : i32
        %get3A_138 = arith.index_cast %add3A_137 : i32 to index
        %get3A_139 = arith.constant 0 : index
        %get3A_140 = tpu.vector_load %arg11[%get3A_138, %get3A_139] {strides = array<i32>} : memref<832x64xf32, #tpu.memory_space<vmem>>, vector<1x16xf32>,
        %get3A_141 = vector.shape_cast %get3A_140 : vector<1x16xf32> to vector<16xf32>
        %add3A_142 = arith.addf %add3A_106, %get3A_141 : vector<16xf32>
        %mul3A_143 = arith.mulf %get3A_141, %get3A_141 : vector<16xf32>
        %add3A_144 = arith.addf %add3A_108, %mul3A_143 : vector<16xf32>
        %add3A_145 = arith.constant 3 : i32
        %add3A_146 = arith.addi %mul3A_36, %add3A_145 : i32
        %get3A_147 = arith.index_cast %add3A_146 : i32 to index
        %get3A_148 = arith.constant 16 : index
        %get3A_149 = tpu.vector_load %arg11[%get3A_147, %get3A_148] {strides = array<i32>} : memref<832x64xf32, #tpu.memory_space<vmem>>, vector<1x16xf32>,
        %get3A_150 = vector.shape_cast %get3A_149 : vector<1x16xf32> to vector<16xf32>
        %add3A_151 = arith.addf %add3A_115, %get3A_150 : vector<16xf32>
        %mul3A_152 = arith.mulf %get3A_150, %get3A_150 : vector<16xf32>
        %add3A_153 = arith.addf %add3A_117, %mul3A_152 : vector<16xf32>
        %add3A_154 = arith.constant 3 : i32
        %add3A_155 = arith.addi %mul3A_36, %add3A_154 : i32
        %get3A_156 = arith.index_cast %add3A_155 : i32 to index
        %get3A_157 = arith.constant 32 : index
        %get3A_158 = tpu.vector_load %arg11[%get3A_156, %get3A_157] {strides = array<i32>} : memref<832x64xf32, #tpu.memory_space<vmem>>, vector<1x16xf32>,
        %get3A_159 = vector.shape_cast %get3A_158 : vector<1x16xf32> to vector<16xf32>
        %add3A_160 = arith.addf %add3A_124, %get3A_159 : vector<16xf32>
        %mul3A_161 = arith.mulf %get3A_159, %get3A_159 : vector<16xf32>
        %add3A_162 = arith.addf %add3A_126, %mul3A_161 : vector<16xf32>
        %add3A_163 = arith.constant 3 : i32
        %add3A_164 = arith.addi %mul3A_36, %add3A_163 : i32
        %get3A_165 = arith.index_cast %add3A_164 : i32 to index
        %get3A_166 = arith.constant 48 : index
        %get3A_167 = tpu.vector_load %arg11[%get3A_165, %get3A_166] {strides = array<i32>} : memref<832x64xf32, #tpu.memory_space<vmem>>, vector<1x16xf32>,
        %get3A_168 = vector.shape_cast %get3A_167 : vector<1x16xf32> to vector<16xf32>
        %add3A_169 = arith.addf %add3A_133, %get3A_168 : vector<16xf32>
        %mul3A_170 = arith.mulf %get3A_168, %get3A_168 : vector<16xf32>
        %add3A_171 = arith.addf %add3A_135, %mul3A_170 : vector<16xf32>
        %add3A_172 = arith.constant 4 : i32
        %add3A_173 = arith.addi %mul3A_36, %add3A_172 : i32
        %get3A_174 = arith.index_cast %add3A_173 : i32 to index
        %get3A_175 = arith.constant 0 : index
        %get3A_176 = tpu.vector_load %arg11[%get3A_174, %get3A_175] {strides = array<i32>} : memref<832x64xf32, #tpu.memory_space<vmem>>, vector<1x16xf32>,
        %get3A_177 = vector.shape_cast %get3A_176 : vector<1x16xf32> to vector<16xf32>
        %add3A_178 = arith.addf %add3A_142, %get3A_177 : vector<16xf32>
        %mul3A_179 = arith.mulf %get3A_177, %get3A_177 : vector<16xf32>
        %add3A_180 = arith.addf %add3A_144, %mul3A_179 : vector<16xf32>
        %add3A_181 = arith.constant 4 : i32
        %add3A_182 = arith.addi %mul3A_36, %add3A_181 : i32
        %get3A_183 = arith.index_cast %add3A_182 : i32 to index
        %get3A_184 = arith.constant 16 : index
        %get3A_185 = tpu.vector_load %arg11[%get3A_183, %get3A_184] {strides = array<i32>} : memref<832x64xf32, #tpu.memory_space<vmem>>, vector<1x16xf32>,
        %get3A_186 = vector.shape_cast %get3A_185 : vector<1x16xf32> to vector<16xf32>
        %add3A_187 = arith.addf %add3A_151, %get3A_186 : vector<16xf32>
        %mul3A_188 = arith.mulf %get3A_186, %get3A_186 : vector<16xf32>
        %add3A_189 = arith.addf %add3A_153, %mul3A_188 : vector<16xf32>
        %add3A_190 = arith.constant 4 : i32
        %add3A_191 = arith.addi %mul3A_36, %add3A_190 : i32
        %get3A_192 = arith.index_cast %add3A_191 : i32 to index
        %get3A_193 = arith.constant 32 : index
        %get3A_194 = tpu.vector_load %arg11[%get3A_192, %get3A_193] {strides = array<i32>} : memref<832x64xf32, #tpu.memory_space<vmem>>, vector<1x16xf32>,
        %get3A_195 = vector.shape_cast %get3A_194 : vector<1x16xf32> to vector<16xf32>
        %add3A_196 = arith.addf %add3A_160, %get3A_195 : vector<16xf32>
        %mul3A_197 = arith.mulf %get3A_195, %get3A_195 : vector<16xf32>
        %add3A_198 = arith.addf %add3A_162, %mul3A_197 : vector<16xf32>
        %add3A_199 = arith.constant 4 : i32
        %add3A_200 = arith.addi %mul3A_36, %add3A_199 : i32
        %get3A_201 = arith.index_cast %add3A_200 : i32 to index
        %get3A_202 = arith.constant 48 : index
        %get3A_203 = tpu.vector_load %arg11[%get3A_201, %get3A_202] {strides = array<i32>} : memref<832x64xf32, #tpu.memory_space<vmem>>, vector<1x16xf32>,
        %get3A_204 = vector.shape_cast %get3A_203 : vector<1x16xf32> to vector<16xf32>
        %add3A_205 = arith.addf %add3A_169, %get3A_204 : vector<16xf32>
        %mul3A_206 = arith.mulf %get3A_204, %get3A_204 : vector<16xf32>
        %add3A_207 = arith.addf %add3A_171, %mul3A_206 : vector<16xf32>
        %add3A_208 = arith.constant 5 : i32
        %add3A_209 = arith.addi %mul3A_36, %add3A_208 : i32
        %get3A_210 = arith.index_cast %add3A_209 : i32 to index
        %get3A_211 = arith.constant 0 : index
        %get3A_212 = tpu.vector_load %arg11[%get3A_210, %get3A_211] {strides = array<i32>} : memref<832x64xf32, #tpu.memory_space<vmem>>, vector<1x16xf32>,
        %get3A_213 = vector.shape_cast %get3A_212 : vector<1x16xf32> to vector<16xf32>
        %add3A_214 = arith.addf %add3A_178, %get3A_213 : vector<16xf32>
        %mul3A_215 = arith.mulf %get3A_213, %get3A_213 : vector<16xf32>
        %add3A_216 = arith.addf %add3A_180, %mul3A_215 : vector<16xf32>
        %add3A_217 = arith.constant 5 : i32
        %add3A_218 = arith.addi %mul3A_36, %add3A_217 : i32
        %get3A_219 = arith.index_cast %add3A_218 : i32 to index
        %get3A_220 = arith.constant 16 : index
        %get3A_221 = tpu.vector_load %arg11[%get3A_219, %get3A_220] {strides = array<i32>} : memref<832x64xf32, #tpu.memory_space<vmem>>, vector<1x16xf32>,
        %get3A_222 = vector.shape_cast %get3A_221 : vector<1x16xf32> to vector<16xf32>
        %add3A_223 = arith.addf %add3A_187, %get3A_222 : vector<16xf32>
        %mul3A_224 = arith.mulf %get3A_222, %get3A_222 : vector<16xf32>
        %add3A_225 = arith.addf %add3A_189, %mul3A_224 : vector<16xf32>
        %add3A_226 = arith.constant 5 : i32
        %add3A_227 = arith.addi %mul3A_36, %add3A_226 : i32
        %get3A_228 = arith.index_cast %add3A_227 : i32 to index
        %get3A_229 = arith.constant 32 : index
        %get3A_230 = tpu.vector_load %arg11[%get3A_228, %get3A_229] {strides = array<i32>} : memref<832x64xf32, #tpu.memory_space<vmem>>, vector<1x16xf32>,
        %get3A_231 = vector.shape_cast %get3A_230 : vector<1x16xf32> to vector<16xf32>
        %add3A_232 = arith.addf %add3A_196, %get3A_231 : vector<16xf32>
        %mul3A_233 = arith.mulf %get3A_231, %get3A_231 : vector<16xf32>
        %add3A_234 = arith.addf %add3A_198, %mul3A_233 : vector<16xf32>
        %add3A_235 = arith.constant 5 : i32
        %add3A_236 = arith.addi %mul3A_36, %add3A_235 : i32
        %get3A_237 = arith.index_cast %add3A_236 : i32 to index
        %get3A_238 = arith.constant 48 : index
        %get3A_239 = tpu.vector_load %arg11[%get3A_237, %get3A_238] {strides = array<i32>} : memref<832x64xf32, #tpu.memory_space<vmem>>, vector<1x16xf32>,
        %get3A_240 = vector.shape_cast %get3A_239 : vector<1x16xf32> to vector<16xf32>
        %add3A_241 = arith.addf %add3A_205, %get3A_240 : vector<16xf32>
        %mul3A_242 = arith.mulf %get3A_240, %get3A_240 : vector<16xf32>
        %add3A_243 = arith.addf %add3A_207, %mul3A_242 : vector<16xf32>
        %add3A_244 = arith.constant 6 : i32
        %add3A_245 = arith.addi %mul3A_36, %add3A_244 : i32
        %get3A_246 = arith.index_cast %add3A_245 : i32 to index
        %get3A_247 = arith.constant 0 : index
        %get3A_248 = tpu.vector_load %arg11[%get3A_246, %get3A_247] {strides = array<i32>} : memref<832x64xf32, #tpu.memory_space<vmem>>, vector<1x16xf32>,
        %get3A_249 = vector.shape_cast %get3A_248 : vector<1x16xf32> to vector<16xf32>
        %add3A_250 = arith.addf %add3A_214, %get3A_249 : vector<16xf32>
        %mul3A_251 = arith.mulf %get3A_249, %get3A_249 : vector<16xf32>
        %add3A_252 = arith.addf %add3A_216, %mul3A_251 : vector<16xf32>
        %add3A_253 = arith.constant 6 : i32
        %add3A_254 = arith.addi %mul3A_36, %add3A_253 : i32
        %get3A_255 = arith.index_cast %add3A_254 : i32 to index
        %get3A_256 = arith.constant 16 : index
        %get3A_257 = tpu.vector_load %arg11[%get3A_255, %get3A_256] {strides = array<i32>} : memref<832x64xf32, #tpu.memory_space<vmem>>, vector<1x16xf32>,
        %get3A_258 = vector.shape_cast %get3A_257 : vector<1x16xf32> to vector<16xf32>
        %add3A_259 = arith.addf %add3A_223, %get3A_258 : vector<16xf32>
        %mul3A_260 = arith.mulf %get3A_258, %get3A_258 : vector<16xf32>
        %add3A_261 = arith.addf %add3A_225, %mul3A_260 : vector<16xf32>
        %add3A_262 = arith.constant 6 : i32
        %add3A_263 = arith.addi %mul3A_36, %add3A_262 : i32
        %get3A_264 = arith.index_cast %add3A_263 : i32 to index
        %get3A_265 = arith.constant 32 : index
        %get3A_266 = tpu.vector_load %arg11[%get3A_264, %get3A_265] {strides = array<i32>} : memref<832x64xf32, #tpu.memory_space<vmem>>, vector<1x16xf32>,
        %get3A_267 = vector.shape_cast %get3A_266 : vector<1x16xf32> to vector<16xf32>
        %add3A_268 = arith.addf %add3A_232, %get3A_267 : vector<16xf32>
        %mul3A_269 = arith.mulf %get3A_267, %get3A_267 : vector<16xf32>
        %add3A_270 = arith.addf %add3A_234, %mul3A_269 : vector<16xf32>
        %add3A_271 = arith.constant 6 : i32
        %add3A_272 = arith.addi %mul3A_36, %add3A_271 : i32
        %get3A_273 = arith.index_cast %add3A_272 : i32 to index
        %get3A_274 = arith.constant 48 : index
        %get3A_275 = tpu.vector_load %arg11[%get3A_273, %get3A_274] {strides = array<i32>} : memref<832x64xf32, #tpu.memory_space<vmem>>, vector<1x16xf32>,
        %get3A_276 = vector.shape_cast %get3A_275 : vector<1x16xf32> to vector<16xf32>
        %add3A_277 = arith.addf %add3A_241, %get3A_276 : vector<16xf32>
        %mul3A_278 = arith.mulf %get3A_276, %get3A_276 : vector<16xf32>
        %add3A_279 = arith.addf %add3A_243, %mul3A_278 : vector<16xf32>
        %add3A_280 = arith.constant 7 : i32
        %add3A_281 = arith.addi %mul3A_36, %add3A_280 : i32
        %get3A_282 = arith.index_cast %add3A_281 : i32 to index
        %get3A_283 = arith.constant 0 : index
        %get3A_284 = tpu.vector_load %arg11[%get3A_282, %get3A_283] {strides = array<i32>} : memref<832x64xf32, #tpu.memory_space<vmem>>, vector<1x16xf32>,
        %get3A_285 = vector.shape_cast %get3A_284 : vector<1x16xf32> to vector<16xf32>
        %add3A_286 = arith.addf %add3A_250, %get3A_285 : vector<16xf32>
        %mul3A_287 = arith.mulf %get3A_285, %get3A_285 : vector<16xf32>
        %add3A_288 = arith.addf %add3A_252, %mul3A_287 : vector<16xf32>
        %add3A_289 = arith.constant 7 : i32
        %add3A_290 = arith.addi %mul3A_36, %add3A_289 : i32
        %get3A_291 = arith.index_cast %add3A_290 : i32 to index
        %get3A_292 = arith.constant 16 : index
        %get3A_293 = tpu.vector_load %arg11[%get3A_291, %get3A_292] {strides = array<i32>} : memref<832x64xf32, #tpu.memory_space<vmem>>, vector<1x16xf32>,
        %get3A_294 = vector.shape_cast %get3A_293 : vector<1x16xf32> to vector<16xf32>
        %add3A_295 = arith.addf %add3A_259, %get3A_294 : vector<16xf32>
        %mul3A_296 = arith.mulf %get3A_294, %get3A_294 : vector<16xf32>
        %add3A_297 = arith.addf %add3A_261, %mul3A_296 : vector<16xf32>
        %add3A_298 = arith.constant 7 : i32
        %add3A_299 = arith.addi %mul3A_36, %add3A_298 : i32
        %get3A_300 = arith.index_cast %add3A_299 : i32 to index
        %get3A_301 = arith.constant 32 : index
        %get3A_302 = tpu.vector_load %arg11[%get3A_300, %get3A_301] {strides = array<i32>} : memref<832x64xf32, #tpu.memory_space<vmem>>, vector<1x16xf32>,
        %get3A_303 = vector.shape_cast %get3A_302 : vector<1x16xf32> to vector<16xf32>
        %add3A_304 = arith.addf %add3A_268, %get3A_303 : vector<16xf32>
        %mul3A_305 = arith.mulf %get3A_303, %get3A_303 : vector<16xf32>
        %add3A_306 = arith.addf %add3A_270, %mul3A_305 : vector<16xf32>
        %add3A_307 = arith.constant 7 : i32
        %add3A_308 = arith.addi %mul3A_36, %add3A_307 : i32
        %get3A_309 = arith.index_cast %add3A_308 : i32 to index
        %get3A_310 = arith.constant 48 : index
        %get3A_311 = tpu.vector_load %arg11[%get3A_309, %get3A_310] {strides = array<i32>} : memref<832x64xf32, #tpu.memory_space<vmem>>, vector<1x16xf32>,
        %get3A_312 = vector.shape_cast %get3A_311 : vector<1x16xf32> to vector<16xf32>
        %add3A_313 = arith.addf %add3A_277, %get3A_312 : vector<16xf32>
        %mul3A_314 = arith.mulf %get3A_312, %get3A_312 : vector<16xf32>
        %add3A_315 = arith.addf %add3A_279, %mul3A_314 : vector<16xf32>
        %add3A_316 = arith.constant 8 : i32
        %add3A_317 = arith.addi %mul3A_36, %add3A_316 : i32
        %get3A_318 = arith.index_cast %add3A_317 : i32 to index
        %get3A_319 = arith.constant 0 : index
        %get3A_320 = tpu.vector_load %arg11[%get3A_318, %get3A_319] {strides = array<i32>} : memref<832x64xf32, #tpu.memory_space<vmem>>, vector<1x16xf32>,
        %get3A_321 = vector.shape_cast %get3A_320 : vector<1x16xf32> to vector<16xf32>
        %add3A_322 = arith.addf %add3A_286, %get3A_321 : vector<16xf32>
        %mul3A_323 = arith.mulf %get3A_321, %get3A_321 : vector<16xf32>
        %add3A_324 = arith.addf %add3A_288, %mul3A_323 : vector<16xf32>
        %add3A_325 = arith.constant 8 : i32
        %add3A_326 = arith.addi %mul3A_36, %add3A_325 : i32
        %get3A_327 = arith.index_cast %add3A_326 : i32 to index
        %get3A_328 = arith.constant 16 : index
        %get3A_329 = tpu.vector_load %arg11[%get3A_327, %get3A_328] {strides = array<i32>} : memref<832x64xf32, #tpu.memory_space<vmem>>, vector<1x16xf32>,
        %get3A_330 = vector.shape_cast %get3A_329 : vector<1x16xf32> to vector<16xf32>
        %add3A_331 = arith.addf %add3A_295, %get3A_330 : vector<16xf32>
        %mul3A_332 = arith.mulf %get3A_330, %get3A_330 : vector<16xf32>
        %add3A_333 = arith.addf %add3A_297, %mul3A_332 : vector<16xf32>
        %add3A_334 = arith.constant 8 : i32
        %add3A_335 = arith.addi %mul3A_36, %add3A_334 : i32
        %get3A_336 = arith.index_cast %add3A_335 : i32 to index
        %get3A_337 = arith.constant 32 : index
        %get3A_338 = tpu.vector_load %arg11[%get3A_336, %get3A_337] {strides = array<i32>} : memref<832x64xf32, #tpu.memory_space<vmem>>, vector<1x16xf32>,
        %get3A_339 = vector.shape_cast %get3A_338 : vector<1x16xf32> to vector<16xf32>
        %add3A_340 = arith.addf %add3A_304, %get3A_339 : vector<16xf32>
        %mul3A_341 = arith.mulf %get3A_339, %get3A_339 : vector<16xf32>
        %add3A_342 = arith.addf %add3A_306, %mul3A_341 : vector<16xf32>
        %add3A_343 = arith.constant 8 : i32
        %add3A_344 = arith.addi %mul3A_36, %add3A_343 : i32
        %get3A_345 = arith.index_cast %add3A_344 : i32 to index
        %get3A_346 = arith.constant 48 : index
        %get3A_347 = tpu.vector_load %arg11[%get3A_345, %get3A_346] {strides = array<i32>} : memref<832x64xf32, #tpu.memory_space<vmem>>, vector<1x16xf32>,
        %get3A_348 = vector.shape_cast %get3A_347 : vector<1x16xf32> to vector<16xf32>
        %add3A_349 = arith.addf %add3A_313, %get3A_348 : vector<16xf32>
        %mul3A_350 = arith.mulf %get3A_348, %get3A_348 : vector<16xf32>
        %add3A_351 = arith.addf %add3A_315, %mul3A_350 : vector<16xf32>
        %add3A_352 = arith.constant 9 : i32
        %add3A_353 = arith.addi %mul3A_36, %add3A_352 : i32
        %get3A_354 = arith.index_cast %add3A_353 : i32 to index
        %get3A_355 = arith.constant 0 : index
        %get3A_356 = tpu.vector_load %arg11[%get3A_354, %get3A_355] {strides = array<i32>} : memref<832x64xf32, #tpu.memory_space<vmem>>, vector<1x16xf32>,
        %get3A_357 = vector.shape_cast %get3A_356 : vector<1x16xf32> to vector<16xf32>
        %add3A_358 = arith.addf %add3A_322, %get3A_357 : vector<16xf32>
        %mul3A_359 = arith.mulf %get3A_357, %get3A_357 : vector<16xf32>
        %add3A_360 = arith.addf %add3A_324, %mul3A_359 : vector<16xf32>
        %add3A_361 = arith.constant 9 : i32
        %add3A_362 = arith.addi %mul3A_36, %add3A_361 : i32
        %get3A_363 = arith.index_cast %add3A_362 : i32 to index
        %get3A_364 = arith.constant 16 : index
        %get3A_365 = tpu.vector_load %arg11[%get3A_363, %get3A_364] {strides = array<i32>} : memref<832x64xf32, #tpu.memory_space<vmem>>, vector<1x16xf32>,
        %get3A_366 = vector.shape_cast %get3A_365 : vector<1x16xf32> to vector<16xf32>
        %add3A_367 = arith.addf %add3A_331, %get3A_366 : vector<16xf32>
        %mul3A_368 = arith.mulf %get3A_366, %get3A_366 : vector<16xf32>
        %add3A_369 = arith.addf %add3A_333, %mul3A_368 : vector<16xf32>
        %add3A_370 = arith.constant 9 : i32
        %add3A_371 = arith.addi %mul3A_36, %add3A_370 : i32
        %get3A_372 = arith.index_cast %add3A_371 : i32 to index
        %get3A_373 = arith.constant 32 : index
        %get3A_374 = tpu.vector_load %arg11[%get3A_372, %get3A_373] {strides = array<i32>} : memref<832x64xf32, #tpu.memory_space<vmem>>, vector<1x16xf32>,
        %get3A_375 = vector.shape_cast %get3A_374 : vector<1x16xf32> to vector<16xf32>
        %add3A_376 = arith.addf %add3A_340, %get3A_375 : vector<16xf32>
        %mul3A_377 = arith.mulf %get3A_375, %get3A_375 : vector<16xf32>
        %add3A_378 = arith.addf %add3A_342, %mul3A_377 : vector<16xf32>
        %add3A_379 = arith.constant 9 : i32
        %add3A_380 = arith.addi %mul3A_36, %add3A_379 : i32
        %get3A_381 = arith.index_cast %add3A_380 : i32 to index
        %get3A_382 = arith.constant 48 : index
        %get3A_383 = tpu.vector_load %arg11[%get3A_381, %get3A_382] {strides = array<i32>} : memref<832x64xf32, #tpu.memory_space<vmem>>, vector<1x16xf32>,
        %get3A_384 = vector.shape_cast %get3A_383 : vector<1x16xf32> to vector<16xf32>
        %add3A_385 = arith.addf %add3A_349, %get3A_384 : vector<16xf32>
        %mul3A_386 = arith.mulf %get3A_384, %get3A_384 : vector<16xf32>
        %add3A_387 = arith.addf %add3A_351, %mul3A_386 : vector<16xf32>
        %add3A_388 = arith.constant 10 : i32
        %add3A_389 = arith.addi %mul3A_36, %add3A_388 : i32
        %get3A_390 = arith.index_cast %add3A_389 : i32 to index
        %get3A_391 = arith.constant 0 : index
        %get3A_392 = tpu.vector_load %arg11[%get3A_390, %get3A_391] {strides = array<i32>} : memref<832x64xf32, #tpu.memory_space<vmem>>, vector<1x16xf32>,
        %get3A_393 = vector.shape_cast %get3A_392 : vector<1x16xf32> to vector<16xf32>
        %add3A_394 = arith.addf %add3A_358, %get3A_393 : vector<16xf32>
        %mul3A_395 = arith.mulf %get3A_393, %get3A_393 : vector<16xf32>
        %add3A_396 = arith.addf %add3A_360, %mul3A_395 : vector<16xf32>
        %add3A_397 = arith.constant 10 : i32
        %add3A_398 = arith.addi %mul3A_36, %add3A_397 : i32
        %get3A_399 = arith.index_cast %add3A_398 : i32 to index
        %get3A_400 = arith.constant 16 : index
        %get3A_401 = tpu.vector_load %arg11[%get3A_399, %get3A_400] {strides = array<i32>} : memref<832x64xf32, #tpu.memory_space<vmem>>, vector<1x16xf32>,
        %get3A_402 = vector.shape_cast %get3A_401 : vector<1x16xf32> to vector<16xf32>
        %add3A_403 = arith.addf %add3A_367, %get3A_402 : vector<16xf32>
        %mul3A_404 = arith.mulf %get3A_402, %get3A_402 : vector<16xf32>
        %add3A_405 = arith.addf %add3A_369, %mul3A_404 : vector<16xf32>
        %add3A_406 = arith.constant 10 : i32
        %add3A_407 = arith.addi %mul3A_36, %add3A_406 : i32
        %get3A_408 = arith.index_cast %add3A_407 : i32 to index
        %get3A_409 = arith.constant 32 : index
        %get3A_410 = tpu.vector_load %arg11[%get3A_408, %get3A_409] {strides = array<i32>} : memref<832x64xf32, #tpu.memory_space<vmem>>, vector<1x16xf32>,
        %get3A_411 = vector.shape_cast %get3A_410 : vector<1x16xf32> to vector<16xf32>
        %add3A_412 = arith.addf %add3A_376, %get3A_411 : vector<16xf32>
        %mul3A_413 = arith.mulf %get3A_411, %get3A_411 : vector<16xf32>
        %add3A_414 = arith.addf %add3A_378, %mul3A_413 : vector<16xf32>
        %add3A_415 = arith.constant 10 : i32
        %add3A_416 = arith.addi %mul3A_36, %add3A_415 : i32
        %get3A_417 = arith.index_cast %add3A_416 : i32 to index
        %get3A_418 = arith.constant 48 : index
        %get3A_419 = tpu.vector_load %arg11[%get3A_417, %get3A_418] {strides = array<i32>} : memref<832x64xf32, #tpu.memory_space<vmem>>, vector<1x16xf32>,
        %get3A_420 = vector.shape_cast %get3A_419 : vector<1x16xf32> to vector<16xf32>
        %add3A_421 = arith.addf %add3A_385, %get3A_420 : vector<16xf32>
        %mul3A_422 = arith.mulf %get3A_420, %get3A_420 : vector<16xf32>
        %add3A_423 = arith.addf %add3A_387, %mul3A_422 : vector<16xf32>
        %add3A_424 = arith.constant 11 : i32
        %add3A_425 = arith.addi %mul3A_36, %add3A_424 : i32
        %get3A_426 = arith.index_cast %add3A_425 : i32 to index
        %get3A_427 = arith.constant 0 : index
        %get3A_428 = tpu.vector_load %arg11[%get3A_426, %get3A_427] {strides = array<i32>} : memref<832x64xf32, #tpu.memory_space<vmem>>, vector<1x16xf32>,
        %get3A_429 = vector.shape_cast %get3A_428 : vector<1x16xf32> to vector<16xf32>
        %add3A_430 = arith.addf %add3A_394, %get3A_429 : vector<16xf32>
        %mul3A_431 = arith.mulf %get3A_429, %get3A_429 : vector<16xf32>
        %add3A_432 = arith.addf %add3A_396, %mul3A_431 : vector<16xf32>
        %add3A_433 = arith.constant 11 : i32
        %add3A_434 = arith.addi %mul3A_36, %add3A_433 : i32
        %get3A_435 = arith.index_cast %add3A_434 : i32 to index
        %get3A_436 = arith.constant 16 : index
        %get3A_437 = tpu.vector_load %arg11[%get3A_435, %get3A_436] {strides = array<i32>} : memref<832x64xf32, #tpu.memory_space<vmem>>, vector<1x16xf32>,
        %get3A_438 = vector.shape_cast %get3A_437 : vector<1x16xf32> to vector<16xf32>
        %add3A_439 = arith.addf %add3A_403, %get3A_438 : vector<16xf32>
        %mul3A_440 = arith.mulf %get3A_438, %get3A_438 : vector<16xf32>
        %add3A_441 = arith.addf %add3A_405, %mul3A_440 : vector<16xf32>
        %add3A_442 = arith.constant 11 : i32
        %add3A_443 = arith.addi %mul3A_36, %add3A_442 : i32
        %get3A_444 = arith.index_cast %add3A_443 : i32 to index
        %get3A_445 = arith.constant 32 : index
        %get3A_446 = tpu.vector_load %arg11[%get3A_444, %get3A_445] {strides = array<i32>} : memref<832x64xf32, #tpu.memory_space<vmem>>, vector<1x16xf32>,
        %get3A_447 = vector.shape_cast %get3A_446 : vector<1x16xf32> to vector<16xf32>
        %add3A_448 = arith.addf %add3A_412, %get3A_447 : vector<16xf32>
        %mul3A_449 = arith.mulf %get3A_447, %get3A_447 : vector<16xf32>
        %add3A_450 = arith.addf %add3A_414, %mul3A_449 : vector<16xf32>
        %add3A_451 = arith.constant 11 : i32
        %add3A_452 = arith.addi %mul3A_36, %add3A_451 : i32
        %get3A_453 = arith.index_cast %add3A_452 : i32 to index
        %get3A_454 = arith.constant 48 : index
        %get3A_455 = tpu.vector_load %arg11[%get3A_453, %get3A_454] {strides = array<i32>} : memref<832x64xf32, #tpu.memory_space<vmem>>, vector<1x16xf32>,
        %get3A_456 = vector.shape_cast %get3A_455 : vector<1x16xf32> to vector<16xf32>
        %add3A_457 = arith.addf %add3A_421, %get3A_456 : vector<16xf32>
        %mul3A_458 = arith.mulf %get3A_456, %get3A_456 : vector<16xf32>
        %add3A_459 = arith.addf %add3A_423, %mul3A_458 : vector<16xf32>
        %add3A_460 = arith.constant 12 : i32
        %add3A_461 = arith.addi %mul3A_36, %add3A_460 : i32
        %get3A_462 = arith.index_cast %add3A_461 : i32 to index
        %get3A_463 = arith.constant 0 : index
        %get3A_464 = tpu.vector_load %arg11[%get3A_462, %get3A_463] {strides = array<i32>} : memref<832x64xf32, #tpu.memory_space<vmem>>, vector<1x16xf32>,
        %get3A_465 = vector.shape_cast %get3A_464 : vector<1x16xf32> to vector<16xf32>
        %add3A_466 = arith.addf %add3A_430, %get3A_465 : vector<16xf32>
        %mul3A_467 = arith.mulf %get3A_465, %get3A_465 : vector<16xf32>
        %add3A_468 = arith.addf %add3A_432, %mul3A_467 : vector<16xf32>
        %add3A_469 = arith.constant 12 : i32
        %add3A_470 = arith.addi %mul3A_36, %add3A_469 : i32
        %get3A_471 = arith.index_cast %add3A_470 : i32 to index
        %get3A_472 = arith.constant 16 : index
        %get3A_473 = tpu.vector_load %arg11[%get3A_471, %get3A_472] {strides = array<i32>} : memref<832x64xf32, #tpu.memory_space<vmem>>, vector<1x16xf32>,
        %get3A_474 = vector.shape_cast %get3A_473 : vector<1x16xf32> to vector<16xf32>
        %add3A_475 = arith.addf %add3A_439, %get3A_474 : vector<16xf32>
        %mul3A_476 = arith.mulf %get3A_474, %get3A_474 : vector<16xf32>
        %add3A_477 = arith.addf %add3A_441, %mul3A_476 : vector<16xf32>
        %add3A_478 = arith.constant 12 : i32
        %add3A_479 = arith.addi %mul3A_36, %add3A_478 : i32
        %get3A_480 = arith.index_cast %add3A_479 : i32 to index
        %get3A_481 = arith.constant 32 : index
        %get3A_482 = tpu.vector_load %arg11[%get3A_480, %get3A_481] {strides = array<i32>} : memref<832x64xf32, #tpu.memory_space<vmem>>, vector<1x16xf32>,
        %get3A_483 = vector.shape_cast %get3A_482 : vector<1x16xf32> to vector<16xf32>
        %add3A_484 = arith.addf %add3A_448, %get3A_483 : vector<16xf32>
        %mul3A_485 = arith.mulf %get3A_483, %get3A_483 : vector<16xf32>
        %add3A_486 = arith.addf %add3A_450, %mul3A_485 : vector<16xf32>
        %add3A_487 = arith.constant 12 : i32
        %add3A_488 = arith.addi %mul3A_36, %add3A_487 : i32
        %get3A_489 = arith.index_cast %add3A_488 : i32 to index
        %get3A_490 = arith.constant 48 : index
        %get3A_491 = tpu.vector_load %arg11[%get3A_489, %get3A_490] {strides = array<i32>} : memref<832x64xf32, #tpu.memory_space<vmem>>, vector<1x16xf32>,
        %get3A_492 = vector.shape_cast %get3A_491 : vector<1x16xf32> to vector<16xf32>
        %add3A_493 = arith.addf %add3A_457, %get3A_492 : vector<16xf32>
        %mul3A_494 = arith.mulf %get3A_492, %get3A_492 : vector<16xf32>
        %add3A_495 = arith.addf %add3A_459, %mul3A_494 : vector<16xf32>
        %add3A_496 = arith.constant 13 : i32
        %add3A_497 = arith.addi %mul3A_36, %add3A_496 : i32
        %get3A_498 = arith.index_cast %add3A_497 : i32 to index
        %get3A_499 = arith.constant 0 : index
        %get3A_500 = tpu.vector_load %arg11[%get3A_498, %get3A_499] {strides = array<i32>} : memref<832x64xf32, #tpu.memory_space<vmem>>, vector<1x16xf32>,
        %get3A_501 = vector.shape_cast %get3A_500 : vector<1x16xf32> to vector<16xf32>
        %add3A_502 = arith.addf %add3A_466, %get3A_501 : vector<16xf32>
        %mul3A_503 = arith.mulf %get3A_501, %get3A_501 : vector<16xf32>
        %add3A_504 = arith.addf %add3A_468, %mul3A_503 : vector<16xf32>
        %add3A_505 = arith.constant 13 : i32
        %add3A_506 = arith.addi %mul3A_36, %add3A_505 : i32
        %get3A_507 = arith.index_cast %add3A_506 : i32 to index
        %get3A_508 = arith.constant 16 : index
        %get3A_509 = tpu.vector_load %arg11[%get3A_507, %get3A_508] {strides = array<i32>} : memref<832x64xf32, #tpu.memory_space<vmem>>, vector<1x16xf32>,
        %get3A_510 = vector.shape_cast %get3A_509 : vector<1x16xf32> to vector<16xf32>
        %add3A_511 = arith.addf %add3A_475, %get3A_510 : vector<16xf32>
        %mul3A_512 = arith.mulf %get3A_510, %get3A_510 : vector<16xf32>
        %add3A_513 = arith.addf %add3A_477, %mul3A_512 : vector<16xf32>
        %add3A_514 = arith.constant 13 : i32
        %add3A_515 = arith.addi %mul3A_36, %add3A_514 : i32
        %get3A_516 = arith.index_cast %add3A_515 : i32 to index
        %get3A_517 = arith.constant 32 : index
        %get3A_518 = tpu.vector_load %arg11[%get3A_516, %get3A_517] {strides = array<i32>} : memref<832x64xf32, #tpu.memory_space<vmem>>, vector<1x16xf32>,
        %get3A_519 = vector.shape_cast %get3A_518 : vector<1x16xf32> to vector<16xf32>
        %add3A_520 = arith.addf %add3A_484, %get3A_519 : vector<16xf32>
        %mul3A_521 = arith.mulf %get3A_519, %get3A_519 : vector<16xf32>
        %add3A_522 = arith.addf %add3A_486, %mul3A_521 : vector<16xf32>
        %add3A_523 = arith.constant 13 : i32
        %add3A_524 = arith.addi %mul3A_36, %add3A_523 : i32
        %get3A_525 = arith.index_cast %add3A_524 : i32 to index
        %get3A_526 = arith.constant 48 : index
        %get3A_527 = tpu.vector_load %arg11[%get3A_525, %get3A_526] {strides = array<i32>} : memref<832x64xf32, #tpu.memory_space<vmem>>, vector<1x16xf32>,
        %get3A_528 = vector.shape_cast %get3A_527 : vector<1x16xf32> to vector<16xf32>
        %add3A_529 = arith.addf %add3A_493, %get3A_528 : vector<16xf32>
        %mul3A_530 = arith.mulf %get3A_528, %get3A_528 : vector<16xf32>
        %add3A_531 = arith.addf %add3A_495, %mul3A_530 : vector<16xf32>
        %add3A_532 = arith.constant 14 : i32
        %add3A_533 = arith.addi %mul3A_36, %add3A_532 : i32
        %get3A_534 = arith.index_cast %add3A_533 : i32 to index
        %get3A_535 = arith.constant 0 : index
        %get3A_536 = tpu.vector_load %arg11[%get3A_534, %get3A_535] {strides = array<i32>} : memref<832x64xf32, #tpu.memory_space<vmem>>, vector<1x16xf32>,
        %get3A_537 = vector.shape_cast %get3A_536 : vector<1x16xf32> to vector<16xf32>
        %add3A_538 = arith.addf %add3A_502, %get3A_537 : vector<16xf32>
        %mul3A_539 = arith.mulf %get3A_537, %get3A_537 : vector<16xf32>
        %add3A_540 = arith.addf %add3A_504, %mul3A_539 : vector<16xf32>
        %add3A_541 = arith.constant 14 : i32
        %add3A_542 = arith.addi %mul3A_36, %add3A_541 : i32
        %get3A_543 = arith.index_cast %add3A_542 : i32 to index
        %get3A_544 = arith.constant 16 : index
        %get3A_545 = tpu.vector_load %arg11[%get3A_543, %get3A_544] {strides = array<i32>} : memref<832x64xf32, #tpu.memory_space<vmem>>, vector<1x16xf32>,
        %get3A_546 = vector.shape_cast %get3A_545 : vector<1x16xf32> to vector<16xf32>
        %add3A_547 = arith.addf %add3A_511, %get3A_546 : vector<16xf32>
        %mul3A_548 = arith.mulf %get3A_546, %get3A_546 : vector<16xf32>
        %add3A_549 = arith.addf %add3A_513, %mul3A_548 : vector<16xf32>
        %add3A_550 = arith.constant 14 : i32
        %add3A_551 = arith.addi %mul3A_36, %add3A_550 : i32
        %get3A_552 = arith.index_cast %add3A_551 : i32 to index
        %get3A_553 = arith.constant 32 : index
        %get3A_554 = tpu.vector_load %arg11[%get3A_552, %get3A_553] {strides = array<i32>} : memref<832x64xf32, #tpu.memory_space<vmem>>, vector<1x16xf32>,
        %get3A_555 = vector.shape_cast %get3A_554 : vector<1x16xf32> to vector<16xf32>
        %add3A_556 = arith.addf %add3A_520, %get3A_555 : vector<16xf32>
        %mul3A_557 = arith.mulf %get3A_555, %get3A_555 : vector<16xf32>
        %add3A_558 = arith.addf %add3A_522, %mul3A_557 : vector<16xf32>
        %add3A_559 = arith.constant 14 : i32
        %add3A_560 = arith.addi %mul3A_36, %add3A_559 : i32
        %get3A_561 = arith.index_cast %add3A_560 : i32 to index
        %get3A_562 = arith.constant 48 : index
        %get3A_563 = tpu.vector_load %arg11[%get3A_561, %get3A_562] {strides = array<i32>} : memref<832x64xf32, #tpu.memory_space<vmem>>, vector<1x16xf32>,
        %get3A_564 = vector.shape_cast %get3A_563 : vector<1x16xf32> to vector<16xf32>
        %add3A_565 = arith.addf %add3A_529, %get3A_564 : vector<16xf32>
        %mul3A_566 = arith.mulf %get3A_564, %get3A_564 : vector<16xf32>
        %add3A_567 = arith.addf %add3A_531, %mul3A_566 : vector<16xf32>
        %add3A_568 = arith.constant 15 : i32
        %add3A_569 = arith.addi %mul3A_36, %add3A_568 : i32
        %get3A_570 = arith.index_cast %add3A_569 : i32 to index
        %get3A_571 = arith.constant 0 : index
        %get3A_572 = tpu.vector_load %arg11[%get3A_570, %get3A_571] {strides = array<i32>} : memref<832x64xf32, #tpu.memory_space<vmem>>, vector<1x16xf32>,
        %get3A_573 = vector.shape_cast %get3A_572 : vector<1x16xf32> to vector<16xf32>
        %add3A_574 = arith.addf %add3A_538, %get3A_573 : vector<16xf32>
        %mul3A_575 = arith.mulf %get3A_573, %get3A_573 : vector<16xf32>
        %add3A_576 = arith.addf %add3A_540, %mul3A_575 : vector<16xf32>
        %add3A_577 = arith.constant 15 : i32
        %add3A_578 = arith.addi %mul3A_36, %add3A_577 : i32
        %get3A_579 = arith.index_cast %add3A_578 : i32 to index
        %get3A_580 = arith.constant 16 : index
        %get3A_581 = tpu.vector_load %arg11[%get3A_579, %get3A_580] {strides = array<i32>} : memref<832x64xf32, #tpu.memory_space<vmem>>, vector<1x16xf32>,
        %get3A_582 = vector.shape_cast %get3A_581 : vector<1x16xf32> to vector<16xf32>
        %add3A_583 = arith.addf %add3A_547, %get3A_582 : vector<16xf32>
        %mul3A_584 = arith.mulf %get3A_582, %get3A_582 : vector<16xf32>
        %add3A_585 = arith.addf %add3A_549, %mul3A_584 : vector<16xf32>
        %add3A_586 = arith.constant 15 : i32
        %add3A_587 = arith.addi %mul3A_36, %add3A_586 : i32
        %get3A_588 = arith.index_cast %add3A_587 : i32 to index
        %get3A_589 = arith.constant 32 : index
        %get3A_590 = tpu.vector_load %arg11[%get3A_588, %get3A_589] {strides = array<i32>} : memref<832x64xf32, #tpu.memory_space<vmem>>, vector<1x16xf32>,
        %get3A_591 = vector.shape_cast %get3A_590 : vector<1x16xf32> to vector<16xf32>
        %add3A_592 = arith.addf %add3A_556, %get3A_591 : vector<16xf32>
        %mul3A_593 = arith.mulf %get3A_591, %get3A_591 : vector<16xf32>
        %add3A_594 = arith.addf %add3A_558, %mul3A_593 : vector<16xf32>
        %add3A_595 = arith.constant 15 : i32
        %add3A_596 = arith.addi %mul3A_36, %add3A_595 : i32
        %get3A_597 = arith.index_cast %add3A_596 : i32 to index
        %get3A_598 = arith.constant 48 : index
        %get3A_599 = tpu.vector_load %arg11[%get3A_597, %get3A_598] {strides = array<i32>} : memref<832x64xf32, #tpu.memory_space<vmem>>, vector<1x16xf32>,
        %get3A_600 = vector.shape_cast %get3A_599 : vector<1x16xf32> to vector<16xf32>
        %add3A_601 = arith.addf %add3A_565, %get3A_600 : vector<16xf32>
        %mul3A_602 = arith.mulf %get3A_600, %get3A_600 : vector<16xf32>
        %add3A_603 = arith.addf %add3A_567, %mul3A_602 : vector<16xf32>
        %add3A_604 = arith.constant 16 : i32
        %add3A_605 = arith.addi %mul3A_36, %add3A_604 : i32
        %get3A_606 = arith.index_cast %add3A_605 : i32 to index
        %get3A_607 = arith.constant 0 : index
        %get3A_608 = tpu.vector_load %arg11[%get3A_606, %get3A_607] {strides = array<i32>} : memref<832x64xf32, #tpu.memory_space<vmem>>, vector<1x16xf32>,
        %get3A_609 = vector.shape_cast %get3A_608 : vector<1x16xf32> to vector<16xf32>
        %add3A_610 = arith.addf %add3A_574, %get3A_609 : vector<16xf32>
        %mul3A_611 = arith.mulf %get3A_609, %get3A_609 : vector<16xf32>
        %add3A_612 = arith.addf %add3A_576, %mul3A_611 : vector<16xf32>
        %add3A_613 = arith.constant 16 : i32
        %add3A_614 = arith.addi %mul3A_36, %add3A_613 : i32
        %get3A_615 = arith.index_cast %add3A_614 : i32 to index
        %get3A_616 = arith.constant 16 : index
        %get3A_617 = tpu.vector_load %arg11[%get3A_615, %get3A_616] {strides = array<i32>} : memref<832x64xf32, #tpu.memory_space<vmem>>, vector<1x16xf32>,
        %get3A_618 = vector.shape_cast %get3A_617 : vector<1x16xf32> to vector<16xf32>
        %add3A_619 = arith.addf %add3A_583, %get3A_618 : vector<16xf32>
        %mul3A_620 = arith.mulf %get3A_618, %get3A_618 : vector<16xf32>
        %add3A_621 = arith.addf %add3A_585, %mul3A_620 : vector<16xf32>
        %add3A_622 = arith.constant 16 : i32
        %add3A_623 = arith.addi %mul3A_36, %add3A_622 : i32
        %get3A_624 = arith.index_cast %add3A_623 : i32 to index
        %get3A_625 = arith.constant 32 : index
        %get3A_626 = tpu.vector_load %arg11[%get3A_624, %get3A_625] {strides = array<i32>} : memref<832x64xf32, #tpu.memory_space<vmem>>, vector<1x16xf32>,
        %get3A_627 = vector.shape_cast %get3A_626 : vector<1x16xf32> to vector<16xf32>
        %add3A_628 = arith.addf %add3A_592, %get3A_627 : vector<16xf32>
        %mul3A_629 = arith.mulf %get3A_627, %get3A_627 : vector<16xf32>
        %add3A_630 = arith.addf %add3A_594, %mul3A_629 : vector<16xf32>
        %add3A_631 = arith.constant 16 : i32
        %add3A_632 = arith.addi %mul3A_36, %add3A_631 : i32
        %get3A_633 = arith.index_cast %add3A_632 : i32 to index
        %get3A_634 = arith.constant 48 : index
        %get3A_635 = tpu.vector_load %arg11[%get3A_633, %get3A_634] {strides = array<i32>} : memref<832x64xf32, #tpu.memory_space<vmem>>, vector<1x16xf32>,
        %get3A_636 = vector.shape_cast %get3A_635 : vector<1x16xf32> to vector<16xf32>
        %add3A_637 = arith.addf %add3A_601, %get3A_636 : vector<16xf32>
        %mul3A_638 = arith.mulf %get3A_636, %get3A_636 : vector<16xf32>
        %add3A_639 = arith.addf %add3A_603, %mul3A_638 : vector<16xf32>
        %add3A_640 = arith.constant 17 : i32
        %add3A_641 = arith.addi %mul3A_36, %add3A_640 : i32
        %get3A_642 = arith.index_cast %add3A_641 : i32 to index
        %get3A_643 = arith.constant 0 : index
        %get3A_644 = tpu.vector_load %arg11[%get3A_642, %get3A_643] {strides = array<i32>} : memref<832x64xf32, #tpu.memory_space<vmem>>, vector<1x16xf32>,
        %get3A_645 = vector.shape_cast %get3A_644 : vector<1x16xf32> to vector<16xf32>
        %add3A_646 = arith.addf %add3A_610, %get3A_645 : vector<16xf32>
        %mul3A_647 = arith.mulf %get3A_645, %get3A_645 : vector<16xf32>
        %add3A_648 = arith.addf %add3A_612, %mul3A_647 : vector<16xf32>
        %add3A_649 = arith.constant 17 : i32
        %add3A_650 = arith.addi %mul3A_36, %add3A_649 : i32
        %get3A_651 = arith.index_cast %add3A_650 : i32 to index
        %get3A_652 = arith.constant 16 : index
        %get3A_653 = tpu.vector_load %arg11[%get3A_651, %get3A_652] {strides = array<i32>} : memref<832x64xf32, #tpu.memory_space<vmem>>, vector<1x16xf32>,
        %get3A_654 = vector.shape_cast %get3A_653 : vector<1x16xf32> to vector<16xf32>
        %add3A_655 = arith.addf %add3A_619, %get3A_654 : vector<16xf32>
        %mul3A_656 = arith.mulf %get3A_654, %get3A_654 : vector<16xf32>
        %add3A_657 = arith.addf %add3A_621, %mul3A_656 : vector<16xf32>
        %add3A_658 = arith.constant 17 : i32
        %add3A_659 = arith.addi %mul3A_36, %add3A_658 : i32
        %get3A_660 = arith.index_cast %add3A_659 : i32 to index
        %get3A_661 = arith.constant 32 : index
        %get3A_662 = tpu.vector_load %arg11[%get3A_660, %get3A_661] {strides = array<i32>} : memref<832x64xf32, #tpu.memory_space<vmem>>, vector<1x16xf32>,
        %get3A_663 = vector.shape_cast %get3A_662 : vector<1x16xf32> to vector<16xf32>
        %add3A_664 = arith.addf %add3A_628, %get3A_663 : vector<16xf32>
        %mul3A_665 = arith.mulf %get3A_663, %get3A_663 : vector<16xf32>
        %add3A_666 = arith.addf %add3A_630, %mul3A_665 : vector<16xf32>
        %add3A_667 = arith.constant 17 : i32
        %add3A_668 = arith.addi %mul3A_36, %add3A_667 : i32
        %get3A_669 = arith.index_cast %add3A_668 : i32 to index
        %get3A_670 = arith.constant 48 : index
        %get3A_671 = tpu.vector_load %arg11[%get3A_669, %get3A_670] {strides = array<i32>} : memref<832x64xf32, #tpu.memory_space<vmem>>, vector<1x16xf32>,
        %get3A_672 = vector.shape_cast %get3A_671 : vector<1x16xf32> to vector<16xf32>
        %add3A_673 = arith.addf %add3A_637, %get3A_672 : vector<16xf32>
        %mul3A_674 = arith.mulf %get3A_672, %get3A_672 : vector<16xf32>
        %add3A_675 = arith.addf %add3A_639, %mul3A_674 : vector<16xf32>
        %add3A_676 = arith.constant 18 : i32
        %add3A_677 = arith.addi %mul3A_36, %add3A_676 : i32
        %get3A_678 = arith.index_cast %add3A_677 : i32 to index
        %get3A_679 = arith.constant 0 : index
        %get3A_680 = tpu.vector_load %arg11[%get3A_678, %get3A_679] {strides = array<i32>} : memref<832x64xf32, #tpu.memory_space<vmem>>, vector<1x16xf32>,
        %get3A_681 = vector.shape_cast %get3A_680 : vector<1x16xf32> to vector<16xf32>
        %add3A_682 = arith.addf %add3A_646, %get3A_681 : vector<16xf32>
        %mul3A_683 = arith.mulf %get3A_681, %get3A_681 : vector<16xf32>
        %add3A_684 = arith.addf %add3A_648, %mul3A_683 : vector<16xf32>
        %add3A_685 = arith.constant 18 : i32
        %add3A_686 = arith.addi %mul3A_36, %add3A_685 : i32
        %get3A_687 = arith.index_cast %add3A_686 : i32 to index
        %get3A_688 = arith.constant 16 : index
        %get3A_689 = tpu.vector_load %arg11[%get3A_687, %get3A_688] {strides = array<i32>} : memref<832x64xf32, #tpu.memory_space<vmem>>, vector<1x16xf32>,
        %get3A_690 = vector.shape_cast %get3A_689 : vector<1x16xf32> to vector<16xf32>
        %add3A_691 = arith.addf %add3A_655, %get3A_690 : vector<16xf32>
        %mul3A_692 = arith.mulf %get3A_690, %get3A_690 : vector<16xf32>
        %add3A_693 = arith.addf %add3A_657, %mul3A_692 : vector<16xf32>
        %add3A_694 = arith.constant 18 : i32
        %add3A_695 = arith.addi %mul3A_36, %add3A_694 : i32
        %get3A_696 = arith.index_cast %add3A_695 : i32 to index
        %get3A_697 = arith.constant 32 : index
        %get3A_698 = tpu.vector_load %arg11[%get3A_696, %get3A_697] {strides = array<i32>} : memref<832x64xf32, #tpu.memory_space<vmem>>, vector<1x16xf32>,
        %get3A_699 = vector.shape_cast %get3A_698 : vector<1x16xf32> to vector<16xf32>
        %add3A_700 = arith.addf %add3A_664, %get3A_699 : vector<16xf32>
        %mul3A_701 = arith.mulf %get3A_699, %get3A_699 : vector<16xf32>
        %add3A_702 = arith.addf %add3A_666, %mul3A_701 : vector<16xf32>
        %add3A_703 = arith.constant 18 : i32
        %add3A_704 = arith.addi %mul3A_36, %add3A_703 : i32
        %get3A_705 = arith.index_cast %add3A_704 : i32 to index
        %get3A_706 = arith.constant 48 : index
        %get3A_707 = tpu.vector_load %arg11[%get3A_705, %get3A_706] {strides = array<i32>} : memref<832x64xf32, #tpu.memory_space<vmem>>, vector<1x16xf32>,
        %get3A_708 = vector.shape_cast %get3A_707 : vector<1x16xf32> to vector<16xf32>
        %add3A_709 = arith.addf %add3A_673, %get3A_708 : vector<16xf32>
        %mul3A_710 = arith.mulf %get3A_708, %get3A_708 : vector<16xf32>
        %add3A_711 = arith.addf %add3A_675, %mul3A_710 : vector<16xf32>
        %add3A_712 = arith.constant 19 : i32
        %add3A_713 = arith.addi %mul3A_36, %add3A_712 : i32
        %get3A_714 = arith.index_cast %add3A_713 : i32 to index
        %get3A_715 = arith.constant 0 : index
        %get3A_716 = tpu.vector_load %arg11[%get3A_714, %get3A_715] {strides = array<i32>} : memref<832x64xf32, #tpu.memory_space<vmem>>, vector<1x16xf32>,
        %get3A_717 = vector.shape_cast %get3A_716 : vector<1x16xf32> to vector<16xf32>
        %add3A_718 = arith.addf %add3A_682, %get3A_717 : vector<16xf32>
        %mul3A_719 = arith.mulf %get3A_717, %get3A_717 : vector<16xf32>
        %add3A_720 = arith.addf %add3A_684, %mul3A_719 : vector<16xf32>
        %add3A_721 = arith.constant 19 : i32
        %add3A_722 = arith.addi %mul3A_36, %add3A_721 : i32
        %get3A_723 = arith.index_cast %add3A_722 : i32 to index
        %get3A_724 = arith.constant 16 : index
        %get3A_725 = tpu.vector_load %arg11[%get3A_723, %get3A_724] {strides = array<i32>} : memref<832x64xf32, #tpu.memory_space<vmem>>, vector<1x16xf32>,
        %get3A_726 = vector.shape_cast %get3A_725 : vector<1x16xf32> to vector<16xf32>
        %add3A_727 = arith.addf %add3A_691, %get3A_726 : vector<16xf32>
        %mul3A_728 = arith.mulf %get3A_726, %get3A_726 : vector<16xf32>
        %add3A_729 = arith.addf %add3A_693, %mul3A_728 : vector<16xf32>
        %add3A_730 = arith.constant 19 : i32
        %add3A_731 = arith.addi %mul3A_36, %add3A_730 : i32
        %get3A_732 = arith.index_cast %add3A_731 : i32 to index
        %get3A_733 = arith.constant 32 : index
        %get3A_734 = tpu.vector_load %arg11[%get3A_732, %get3A_733] {strides = array<i32>} : memref<832x64xf32, #tpu.memory_space<vmem>>, vector<1x16xf32>,
        %get3A_735 = vector.shape_cast %get3A_734 : vector<1x16xf32> to vector<16xf32>
        %add3A_736 = arith.addf %add3A_700, %get3A_735 : vector<16xf32>
        %mul3A_737 = arith.mulf %get3A_735, %get3A_735 : vector<16xf32>
        %add3A_738 = arith.addf %add3A_702, %mul3A_737 : vector<16xf32>
        %add3A_739 = arith.constant 19 : i32
        %add3A_740 = arith.addi %mul3A_36, %add3A_739 : i32
        %get3A_741 = arith.index_cast %add3A_740 : i32 to index
        %get3A_742 = arith.constant 48 : index
        %get3A_743 = tpu.vector_load %arg11[%get3A_741, %get3A_742] {strides = array<i32>} : memref<832x64xf32, #tpu.memory_space<vmem>>, vector<1x16xf32>,
        %get3A_744 = vector.shape_cast %get3A_743 : vector<1x16xf32> to vector<16xf32>
        %add3A_745 = arith.addf %add3A_709, %get3A_744 : vector<16xf32>
        %mul3A_746 = arith.mulf %get3A_744, %get3A_744 : vector<16xf32>
        %add3A_747 = arith.addf %add3A_711, %mul3A_746 : vector<16xf32>
        %add3A_748 = arith.constant 20 : i32
        %add3A_749 = arith.addi %mul3A_36, %add3A_748 : i32
        %get3A_750 = arith.index_cast %add3A_749 : i32 to index
        %get3A_751 = arith.constant 0 : index
        %get3A_752 = tpu.vector_load %arg11[%get3A_750, %get3A_751] {strides = array<i32>} : memref<832x64xf32, #tpu.memory_space<vmem>>, vector<1x16xf32>,
        %get3A_753 = vector.shape_cast %get3A_752 : vector<1x16xf32> to vector<16xf32>
        %add3A_754 = arith.addf %add3A_718, %get3A_753 : vector<16xf32>
        %mul3A_755 = arith.mulf %get3A_753, %get3A_753 : vector<16xf32>
        %add3A_756 = arith.addf %add3A_720, %mul3A_755 : vector<16xf32>
        %add3A_757 = arith.constant 20 : i32
        %add3A_758 = arith.addi %mul3A_36, %add3A_757 : i32
        %get3A_759 = arith.index_cast %add3A_758 : i32 to index
        %get3A_760 = arith.constant 16 : index
        %get3A_761 = tpu.vector_load %arg11[%get3A_759, %get3A_760] {strides = array<i32>} : memref<832x64xf32, #tpu.memory_space<vmem>>, vector<1x16xf32>,
        %get3A_762 = vector.shape_cast %get3A_761 : vector<1x16xf32> to vector<16xf32>
        %add3A_763 = arith.addf %add3A_727, %get3A_762 : vector<16xf32>
        %mul3A_764 = arith.mulf %get3A_762, %get3A_762 : vector<16xf32>
        %add3A_765 = arith.addf %add3A_729, %mul3A_764 : vector<16xf32>
        %add3A_766 = arith.constant 20 : i32
        %add3A_767 = arith.addi %mul3A_36, %add3A_766 : i32
        %get3A_768 = arith.index_cast %add3A_767 : i32 to index
        %get3A_769 = arith.constant 32 : index
        %get3A_770 = tpu.vector_load %arg11[%get3A_768, %get3A_769] {strides = array<i32>} : memref<832x64xf32, #tpu.memory_space<vmem>>, vector<1x16xf32>,
        %get3A_771 = vector.shape_cast %get3A_770 : vector<1x16xf32> to vector<16xf32>
        %add3A_772 = arith.addf %add3A_736, %get3A_771 : vector<16xf32>
        %mul3A_773 = arith.mulf %get3A_771, %get3A_771 : vector<16xf32>
        %add3A_774 = arith.addf %add3A_738, %mul3A_773 : vector<16xf32>
        %add3A_775 = arith.constant 20 : i32
        %add3A_776 = arith.addi %mul3A_36, %add3A_775 : i32
        %get3A_777 = arith.index_cast %add3A_776 : i32 to index
        %get3A_778 = arith.constant 48 : index
        %get3A_779 = tpu.vector_load %arg11[%get3A_777, %get3A_778] {strides = array<i32>} : memref<832x64xf32, #tpu.memory_space<vmem>>, vector<1x16xf32>,
        %get3A_780 = vector.shape_cast %get3A_779 : vector<1x16xf32> to vector<16xf32>
        %add3A_781 = arith.addf %add3A_745, %get3A_780 : vector<16xf32>
        %mul3A_782 = arith.mulf %get3A_780, %get3A_780 : vector<16xf32>
        %add3A_783 = arith.addf %add3A_747, %mul3A_782 : vector<16xf32>
        %add3A_784 = arith.constant 21 : i32
        %add3A_785 = arith.addi %mul3A_36, %add3A_784 : i32
        %get3A_786 = arith.index_cast %add3A_785 : i32 to index
        %get3A_787 = arith.constant 0 : index
        %get3A_788 = tpu.vector_load %arg11[%get3A_786, %get3A_787] {strides = array<i32>} : memref<832x64xf32, #tpu.memory_space<vmem>>, vector<1x16xf32>,
        %get3A_789 = vector.shape_cast %get3A_788 : vector<1x16xf32> to vector<16xf32>
        %add3A_790 = arith.addf %add3A_754, %get3A_789 : vector<16xf32>
        %mul3A_791 = arith.mulf %get3A_789, %get3A_789 : vector<16xf32>
        %add3A_792 = arith.addf %add3A_756, %mul3A_791 : vector<16xf32>
        %add3A_793 = arith.constant 21 : i32
        %add3A_794 = arith.addi %mul3A_36, %add3A_793 : i32
        %get3A_795 = arith.index_cast %add3A_794 : i32 to index
        %get3A_796 = arith.constant 16 : index
        %get3A_797 = tpu.vector_load %arg11[%get3A_795, %get3A_796] {strides = array<i32>} : memref<832x64xf32, #tpu.memory_space<vmem>>, vector<1x16xf32>,
        %get3A_798 = vector.shape_cast %get3A_797 : vector<1x16xf32> to vector<16xf32>
        %add3A_799 = arith.addf %add3A_763, %get3A_798 : vector<16xf32>
        %mul3A_800 = arith.mulf %get3A_798, %get3A_798 : vector<16xf32>
        %add3A_801 = arith.addf %add3A_765, %mul3A_800 : vector<16xf32>
        %add3A_802 = arith.constant 21 : i32
        %add3A_803 = arith.addi %mul3A_36, %add3A_802 : i32
        %get3A_804 = arith.index_cast %add3A_803 : i32 to index
        %get3A_805 = arith.constant 32 : index
        %get3A_806 = tpu.vector_load %arg11[%get3A_804, %get3A_805] {strides = array<i32>} : memref<832x64xf32, #tpu.memory_space<vmem>>, vector<1x16xf32>,
        %get3A_807 = vector.shape_cast %get3A_806 : vector<1x16xf32> to vector<16xf32>
        %add3A_808 = arith.addf %add3A_772, %get3A_807 : vector<16xf32>
        %mul3A_809 = arith.mulf %get3A_807, %get3A_807 : vector<16xf32>
        %add3A_810 = arith.addf %add3A_774, %mul3A_809 : vector<16xf32>
        %add3A_811 = arith.constant 21 : i32
        %add3A_812 = arith.addi %mul3A_36, %add3A_811 : i32
        %get3A_813 = arith.index_cast %add3A_812 : i32 to index
        %get3A_814 = arith.constant 48 : index
        %get3A_815 = tpu.vector_load %arg11[%get3A_813, %get3A_814] {strides = array<i32>} : memref<832x64xf32, #tpu.memory_space<vmem>>, vector<1x16xf32>,
        %get3A_816 = vector.shape_cast %get3A_815 : vector<1x16xf32> to vector<16xf32>
        %add3A_817 = arith.addf %add3A_781, %get3A_816 : vector<16xf32>
        %mul3A_818 = arith.mulf %get3A_816, %get3A_816 : vector<16xf32>
        %add3A_819 = arith.addf %add3A_783, %mul3A_818 : vector<16xf32>
        %add3A_820 = arith.constant 22 : i32
        %add3A_821 = arith.addi %mul3A_36, %add3A_820 : i32
        %get3A_822 = arith.index_cast %add3A_821 : i32 to index
        %get3A_823 = arith.constant 0 : index
        %get3A_824 = tpu.vector_load %arg11[%get3A_822, %get3A_823] {strides = array<i32>} : memref<832x64xf32, #tpu.memory_space<vmem>>, vector<1x16xf32>,
        %get3A_825 = vector.shape_cast %get3A_824 : vector<1x16xf32> to vector<16xf32>
        %add3A_826 = arith.addf %add3A_790, %get3A_825 : vector<16xf32>
        %mul3A_827 = arith.mulf %get3A_825, %get3A_825 : vector<16xf32>
        %add3A_828 = arith.addf %add3A_792, %mul3A_827 : vector<16xf32>
        %add3A_829 = arith.constant 22 : i32
        %add3A_830 = arith.addi %mul3A_36, %add3A_829 : i32
        %get3A_831 = arith.index_cast %add3A_830 : i32 to index
        %get3A_832 = arith.constant 16 : index
        %get3A_833 = tpu.vector_load %arg11[%get3A_831, %get3A_832] {strides = array<i32>} : memref<832x64xf32, #tpu.memory_space<vmem>>, vector<1x16xf32>,
        %get3A_834 = vector.shape_cast %get3A_833 : vector<1x16xf32> to vector<16xf32>
        %add3A_835 = arith.addf %add3A_799, %get3A_834 : vector<16xf32>
        %mul3A_836 = arith.mulf %get3A_834, %get3A_834 : vector<16xf32>
        %add3A_837 = arith.addf %add3A_801, %mul3A_836 : vector<16xf32>
        %add3A_838 = arith.constant 22 : i32
        %add3A_839 = arith.addi %mul3A_36, %add3A_838 : i32
        %get3A_840 = arith.index_cast %add3A_839 : i32 to index
        %get3A_841 = arith.constant 32 : index
        %get3A_842 = tpu.vector_load %arg11[%get3A_840, %get3A_841] {strides = array<i32>} : memref<832x64xf32, #tpu.memory_space<vmem>>, vector<1x16xf32>,
        %get3A_843 = vector.shape_cast %get3A_842 : vector<1x16xf32> to vector<16xf32>
        %add3A_844 = arith.addf %add3A_808, %get3A_843 : vector<16xf32>
        %mul3A_845 = arith.mulf %get3A_843, %get3A_843 : vector<16xf32>
        %add3A_846 = arith.addf %add3A_810, %mul3A_845 : vector<16xf32>
        %add3A_847 = arith.constant 22 : i32
        %add3A_848 = arith.addi %mul3A_36, %add3A_847 : i32
        %get3A_849 = arith.index_cast %add3A_848 : i32 to index
        %get3A_850 = arith.constant 48 : index
        %get3A_851 = tpu.vector_load %arg11[%get3A_849, %get3A_850] {strides = array<i32>} : memref<832x64xf32, #tpu.memory_space<vmem>>, vector<1x16xf32>,
        %get3A_852 = vector.shape_cast %get3A_851 : vector<1x16xf32> to vector<16xf32>
        %add3A_853 = arith.addf %add3A_817, %get3A_852 : vector<16xf32>
        %mul3A_854 = arith.mulf %get3A_852, %get3A_852 : vector<16xf32>
        %add3A_855 = arith.addf %add3A_819, %mul3A_854 : vector<16xf32>
        %add3A_856 = arith.constant 23 : i32
        %add3A_857 = arith.addi %mul3A_36, %add3A_856 : i32
        %get3A_858 = arith.index_cast %add3A_857 : i32 to index
        %get3A_859 = arith.constant 0 : index
        %get3A_860 = tpu.vector_load %arg11[%get3A_858, %get3A_859] {strides = array<i32>} : memref<832x64xf32, #tpu.memory_space<vmem>>, vector<1x16xf32>,
        %get3A_861 = vector.shape_cast %get3A_860 : vector<1x16xf32> to vector<16xf32>
        %add3A_862 = arith.addf %add3A_826, %get3A_861 : vector<16xf32>
        %mul3A_863 = arith.mulf %get3A_861, %get3A_861 : vector<16xf32>
        %add3A_864 = arith.addf %add3A_828, %mul3A_863 : vector<16xf32>
        %add3A_865 = arith.constant 23 : i32
        %add3A_866 = arith.addi %mul3A_36, %add3A_865 : i32
        %get3A_867 = arith.index_cast %add3A_866 : i32 to index
        %get3A_868 = arith.constant 16 : index
        %get3A_869 = tpu.vector_load %arg11[%get3A_867, %get3A_868] {strides = array<i32>} : memref<832x64xf32, #tpu.memory_space<vmem>>, vector<1x16xf32>,
        %get3A_870 = vector.shape_cast %get3A_869 : vector<1x16xf32> to vector<16xf32>
        %add3A_871 = arith.addf %add3A_835, %get3A_870 : vector<16xf32>
        %mul3A_872 = arith.mulf %get3A_870, %get3A_870 : vector<16xf32>
        %add3A_873 = arith.addf %add3A_837, %mul3A_872 : vector<16xf32>
        %add3A_874 = arith.constant 23 : i32
        %add3A_875 = arith.addi %mul3A_36, %add3A_874 : i32
        %get3A_876 = arith.index_cast %add3A_875 : i32 to index
        %get3A_877 = arith.constant 32 : index
        %get3A_878 = tpu.vector_load %arg11[%get3A_876, %get3A_877] {strides = array<i32>} : memref<832x64xf32, #tpu.memory_space<vmem>>, vector<1x16xf32>,
        %get3A_879 = vector.shape_cast %get3A_878 : vector<1x16xf32> to vector<16xf32>
        %add3A_880 = arith.addf %add3A_844, %get3A_879 : vector<16xf32>
        %mul3A_881 = arith.mulf %get3A_879, %get3A_879 : vector<16xf32>
        %add3A_882 = arith.addf %add3A_846, %mul3A_881 : vector<16xf32>
        %add3A_883 = arith.constant 23 : i32
        %add3A_884 = arith.addi %mul3A_36, %add3A_883 : i32
        %get3A_885 = arith.index_cast %add3A_884 : i32 to index
        %get3A_886 = arith.constant 48 : index
        %get3A_887 = tpu.vector_load %arg11[%get3A_885, %get3A_886] {strides = array<i32>} : memref<832x64xf32, #tpu.memory_space<vmem>>, vector<1x16xf32>,
        %get3A_888 = vector.shape_cast %get3A_887 : vector<1x16xf32> to vector<16xf32>
        %add3A_889 = arith.addf %add3A_853, %get3A_888 : vector<16xf32>
        %mul3A_890 = arith.mulf %get3A_888, %get3A_888 : vector<16xf32>
        %add3A_891 = arith.addf %add3A_855, %mul3A_890 : vector<16xf32>
        %add3A_892 = arith.constant 24 : i32
        %add3A_893 = arith.addi %mul3A_36, %add3A_892 : i32
        %get3A_894 = arith.index_cast %add3A_893 : i32 to index
        %get3A_895 = arith.constant 0 : index
        %get3A_896 = tpu.vector_load %arg11[%get3A_894, %get3A_895] {strides = array<i32>} : memref<832x64xf32, #tpu.memory_space<vmem>>, vector<1x16xf32>,
        %get3A_897 = vector.shape_cast %get3A_896 : vector<1x16xf32> to vector<16xf32>
        %add3A_898 = arith.addf %add3A_862, %get3A_897 : vector<16xf32>
        %mul3A_899 = arith.mulf %get3A_897, %get3A_897 : vector<16xf32>
        %add3A_900 = arith.addf %add3A_864, %mul3A_899 : vector<16xf32>
        %add3A_901 = arith.constant 24 : i32
        %add3A_902 = arith.addi %mul3A_36, %add3A_901 : i32
        %get3A_903 = arith.index_cast %add3A_902 : i32 to index
        %get3A_904 = arith.constant 16 : index
        %get3A_905 = tpu.vector_load %arg11[%get3A_903, %get3A_904] {strides = array<i32>} : memref<832x64xf32, #tpu.memory_space<vmem>>, vector<1x16xf32>,
        %get3A_906 = vector.shape_cast %get3A_905 : vector<1x16xf32> to vector<16xf32>
        %add3A_907 = arith.addf %add3A_871, %get3A_906 : vector<16xf32>
        %mul3A_908 = arith.mulf %get3A_906, %get3A_906 : vector<16xf32>
        %add3A_909 = arith.addf %add3A_873, %mul3A_908 : vector<16xf32>
        %add3A_910 = arith.constant 24 : i32
        %add3A_911 = arith.addi %mul3A_36, %add3A_910 : i32
        %get3A_912 = arith.index_cast %add3A_911 : i32 to index
        %get3A_913 = arith.constant 32 : index
        %get3A_914 = tpu.vector_load %arg11[%get3A_912, %get3A_913] {strides = array<i32>} : memref<832x64xf32, #tpu.memory_space<vmem>>, vector<1x16xf32>,
        %get3A_915 = vector.shape_cast %get3A_914 : vector<1x16xf32> to vector<16xf32>
        %add3A_916 = arith.addf %add3A_880, %get3A_915 : vector<16xf32>
        %mul3A_917 = arith.mulf %get3A_915, %get3A_915 : vector<16xf32>
        %add3A_918 = arith.addf %add3A_882, %mul3A_917 : vector<16xf32>
        %add3A_919 = arith.constant 24 : i32
        %add3A_920 = arith.addi %mul3A_36, %add3A_919 : i32
        %get3A_921 = arith.index_cast %add3A_920 : i32 to index
        %get3A_922 = arith.constant 48 : index
        %get3A_923 = tpu.vector_load %arg11[%get3A_921, %get3A_922] {strides = array<i32>} : memref<832x64xf32, #tpu.memory_space<vmem>>, vector<1x16xf32>,
        %get3A_924 = vector.shape_cast %get3A_923 : vector<1x16xf32> to vector<16xf32>
        %add3A_925 = arith.addf %add3A_889, %get3A_924 : vector<16xf32>
        %mul3A_926 = arith.mulf %get3A_924, %get3A_924 : vector<16xf32>
        %add3A_927 = arith.addf %add3A_891, %mul3A_926 : vector<16xf32>
        %add3A_928 = arith.constant 25 : i32
        %add3A_929 = arith.addi %mul3A_36, %add3A_928 : i32
        %get3A_930 = arith.index_cast %add3A_929 : i32 to index
        %get3A_931 = arith.constant 0 : index
        %get3A_932 = tpu.vector_load %arg11[%get3A_930, %get3A_931] {strides = array<i32>} : memref<832x64xf32, #tpu.memory_space<vmem>>, vector<1x16xf32>,
        %get3A_933 = vector.shape_cast %get3A_932 : vector<1x16xf32> to vector<16xf32>
        %add3A_934 = arith.addf %add3A_898, %get3A_933 : vector<16xf32>
        %mul3A_935 = arith.mulf %get3A_933, %get3A_933 : vector<16xf32>
        %add3A_936 = arith.addf %add3A_900, %mul3A_935 : vector<16xf32>
        %add3A_937 = arith.constant 25 : i32
        %add3A_938 = arith.addi %mul3A_36, %add3A_937 : i32
        %get3A_939 = arith.index_cast %add3A_938 : i32 to index
        %get3A_940 = arith.constant 16 : index
        %get3A_941 = tpu.vector_load %arg11[%get3A_939, %get3A_940] {strides = array<i32>} : memref<832x64xf32, #tpu.memory_space<vmem>>, vector<1x16xf32>,
        %get3A_942 = vector.shape_cast %get3A_941 : vector<1x16xf32> to vector<16xf32>
        %add3A_943 = arith.addf %add3A_907, %get3A_942 : vector<16xf32>
        %mul3A_944 = arith.mulf %get3A_942, %get3A_942 : vector<16xf32>
        %add3A_945 = arith.addf %add3A_909, %mul3A_944 : vector<16xf32>
        %add3A_946 = arith.constant 25 : i32
        %add3A_947 = arith.addi %mul3A_36, %add3A_946 : i32
        %get3A_948 = arith.index_cast %add3A_947 : i32 to index
        %get3A_949 = arith.constant 32 : index
        %get3A_950 = tpu.vector_load %arg11[%get3A_948, %get3A_949] {strides = array<i32>} : memref<832x64xf32, #tpu.memory_space<vmem>>, vector<1x16xf32>,
        %get3A_951 = vector.shape_cast %get3A_950 : vector<1x16xf32> to vector<16xf32>
        %add3A_952 = arith.addf %add3A_916, %get3A_951 : vector<16xf32>
        %mul3A_953 = arith.mulf %get3A_951, %get3A_951 : vector<16xf32>
        %add3A_954 = arith.addf %add3A_918, %mul3A_953 : vector<16xf32>
        %add3A_955 = arith.constant 25 : i32
        %add3A_956 = arith.addi %mul3A_36, %add3A_955 : i32
        %get3A_957 = arith.index_cast %add3A_956 : i32 to index
        %get3A_958 = arith.constant 48 : index
        %get3A_959 = tpu.vector_load %arg11[%get3A_957, %get3A_958] {strides = array<i32>} : memref<832x64xf32, #tpu.memory_space<vmem>>, vector<1x16xf32>,
        %get3A_960 = vector.shape_cast %get3A_959 : vector<1x16xf32> to vector<16xf32>
        %add3A_961 = arith.addf %add3A_925, %get3A_960 : vector<16xf32>
        %mul3A_962 = arith.mulf %get3A_960, %get3A_960 : vector<16xf32>
        %add3A_963 = arith.addf %add3A_927, %mul3A_962 : vector<16xf32>
        %swap3A = arith.index_cast %scan3A_34 : i32 to index
        %swap3A_964 = arith.constant 0 : index
        %swap3A_965 = tpu.vector_load %arg13[%swap3A, %swap3A_964] {strides = array<i32>} : memref<32x64xf32, #tpu.memory_space<vmem>>, vector<1x16xf32>,
        %swap3A_966 = vector.shape_cast %swap3A_965 : vector<1x16xf32> to vector<16xf32>
        %swap3A_967 = vector.shape_cast %add3A_934 : vector<16xf32> to vector<1x16xf32>
        tpu.vector_store %arg13[%swap3A, %swap3A_964], %swap3A_967 {strides = array<i32>} : memref<32x64xf32, #tpu.memory_space<vmem>>, vector<1x16xf32>,
        %swap3A_968 = arith.index_cast %scan3A_34 : i32 to index
        %swap3A_969 = arith.constant 16 : index
        %swap3A_970 = tpu.vector_load %arg13[%swap3A_968, %swap3A_969] {strides = array<i32>} : memref<32x64xf32, #tpu.memory_space<vmem>>, vector<1x16xf32>,
        %swap3A_971 = vector.shape_cast %swap3A_970 : vector<1x16xf32> to vector<16xf32>
        %swap3A_972 = vector.shape_cast %add3A_943 : vector<16xf32> to vector<1x16xf32>
        tpu.vector_store %arg13[%swap3A_968, %swap3A_969], %swap3A_972 {strides = array<i32>} : memref<32x64xf32, #tpu.memory_space<vmem>>, vector<1x16xf32>,
        %swap3A_973 = arith.index_cast %scan3A_34 : i32 to index
        %swap3A_974 = arith.constant 32 : index
        %swap3A_975 = tpu.vector_load %arg13[%swap3A_973, %swap3A_974] {strides = array<i32>} : memref<32x64xf32, #tpu.memory_space<vmem>>, vector<1x16xf32>,
        %swap3A_976 = vector.shape_cast %swap3A_975 : vector<1x16xf32> to vector<16xf32>
        %swap3A_977 = vector.shape_cast %add3A_952 : vector<16xf32> to vector<1x16xf32>
        tpu.vector_store %arg13[%swap3A_973, %swap3A_974], %swap3A_977 {strides = array<i32>} : memref<32x64xf32, #tpu.memory_space<vmem>>, vector<1x16xf32>,
        %swap3A_978 = arith.index_cast %scan3A_34 : i32 to index
        %swap3A_979 = arith.constant 48 : index
        %swap3A_980 = tpu.vector_load %arg13[%swap3A_978, %swap3A_979] {strides = array<i32>} : memref<32x64xf32, #tpu.memory_space<vmem>>, vector<1x16xf32>,
        %swap3A_981 = vector.shape_cast %swap3A_980 : vector<1x16xf32> to vector<16xf32>
        %swap3A_982 = vector.shape_cast %add3A_961 : vector<16xf32> to vector<1x16xf32>
        tpu.vector_store %arg13[%swap3A_978, %swap3A_979], %swap3A_982 {strides = array<i32>} : memref<32x64xf32, #tpu.memory_space<vmem>>, vector<1x16xf32>,
        %add3A_983 = arith.addf %add3A_936, %add3A_945 : vector<16xf32>
        %add3A_984 = arith.addf %add3A_954, %add3A_963 : vector<16xf32>
        %add3A_985 = arith.addf %add3A_983, %add3A_984 : vector<16xf32>
        %swap3A_986 = arith.index_cast %scan3A_34 : i32 to index
        %swap3A_987 = arith.constant 0 : index
        %swap3A_988 = tpu.vector_load %arg14[%swap3A_986, %swap3A_987] {strides = array<i32>} : memref<32x16xf32, #tpu.memory_space<vmem>>, vector<1x16xf32>,
        %swap3A_989 = vector.shape_cast %swap3A_988 : vector<1x16xf32> to vector<16xf32>
        %swap3A_990 = vector.shape_cast %add3A_985 : vector<16xf32> to vector<1x16xf32>
        tpu.vector_store %arg14[%swap3A_986, %swap3A_987], %swap3A_990 {strides = array<i32>} : memref<32x16xf32, #tpu.memory_space<vmem>>, vector<1x16xf32>,
      }
      %scan3A_31 = arith.constant 32 : i32
      "tpu.region"() ({
        %run_scoped3A = tpu.sem_alloc : memref<!tpu.dma_semaphore, #tpu.memory_space<semaphore_mem>>
        %dma_start3A_34 = arith.constant 0 : i32
        %dma_start3A_35 = tpu.memref_slice %arg6[%add3A_11, %dma_start3A_34] : memref<16384x64xf32, #tpu.memory_space<hbm>> -> memref<32x64xf32, #tpu.memory_space<hbm>>
        %dma_start3A_36 = arith.constant 0 : i32
        %dma_start3A_37 = tpu.memref_slice %arg6[%add3A_11, %dma_start3A_36] : memref<16384x64xf32, #tpu.memory_space<hbm>> -> memref<32x64xf32, #tpu.memory_space<hbm>>
        tpu.enqueue_dma source(%arg13 : memref<32x64xf32, #tpu.memory_space<vmem>>) target(%dma_start3A_37 : memref<32x64xf32, #tpu.memory_space<hbm>>) target_semaphore(%run_scoped3A : memref<!tpu.dma_semaphore, #tpu.memory_space<semaphore_mem>>)
        %dma_wait3A_38 = arith.constant 0 : i32
        %dma_wait3A_39 = tpu.memref_slice %arg6[%add3A_11, %dma_wait3A_38] : memref<16384x64xf32, #tpu.memory_space<hbm>> -> memref<32x64xf32, #tpu.memory_space<hbm>>
        %dma_wait3A_40 = arith.constant 0 : i32
        %dma_wait3A_41 = tpu.memref_slice %arg6[%add3A_11, %dma_wait3A_40] : memref<16384x64xf32, #tpu.memory_space<hbm>> -> memref<32x64xf32, #tpu.memory_space<hbm>>
        tpu.wait_dma2 semaphore(%run_scoped3A : memref<!tpu.dma_semaphore, #tpu.memory_space<semaphore_mem>>) src(%arg13 : memref<32x64xf32, #tpu.memory_space<vmem>>) dst(%dma_wait3A_41 : memref<32x64xf32, #tpu.memory_space<hbm>>)
        tpu.yield
      }) : () -> ()
      "tpu.region"() ({
        %run_scoped3A = tpu.sem_alloc : memref<!tpu.dma_semaphore, #tpu.memory_space<semaphore_mem>>
        %dma_start3A_34 = arith.constant 0 : i32
        %dma_start3A_35 = tpu.memref_slice %arg7[%add3A_11, %dma_start3A_34] : memref<16384x16xf32, #tpu.memory_space<hbm>> -> memref<32x16xf32, #tpu.memory_space<hbm>>
        %dma_start3A_36 = arith.constant 0 : i32
        %dma_start3A_37 = tpu.memref_slice %arg7[%add3A_11, %dma_start3A_36] : memref<16384x16xf32, #tpu.memory_space<hbm>> -> memref<32x16xf32, #tpu.memory_space<hbm>>
        tpu.enqueue_dma source(%arg14 : memref<32x16xf32, #tpu.memory_space<vmem>>) target(%dma_start3A_37 : memref<32x16xf32, #tpu.memory_space<hbm>>) target_semaphore(%run_scoped3A : memref<!tpu.dma_semaphore, #tpu.memory_space<semaphore_mem>>)
        %dma_wait3A_38 = arith.constant 0 : i32
        %dma_wait3A_39 = tpu.memref_slice %arg7[%add3A_11, %dma_wait3A_38] : memref<16384x16xf32, #tpu.memory_space<hbm>> -> memref<32x16xf32, #tpu.memory_space<hbm>>
        %dma_wait3A_40 = arith.constant 0 : i32
        %dma_wait3A_41 = tpu.memref_slice %arg7[%add3A_11, %dma_wait3A_40] : memref<16384x16xf32, #tpu.memory_space<hbm>> -> memref<32x16xf32, #tpu.memory_space<hbm>>
        tpu.wait_dma2 semaphore(%run_scoped3A : memref<!tpu.dma_semaphore, #tpu.memory_space<semaphore_mem>>) src(%arg14 : memref<32x16xf32, #tpu.memory_space<vmem>>) dst(%dma_wait3A_41 : memref<32x16xf32, #tpu.memory_space<hbm>>)
        tpu.yield
      }) : () -> ()
      %mul3A_32 = arith.constant 26 : i32
      %mul3A_33 = arith.muli %add3A_11, %mul3A_32 : i32
      "tpu.region"() ({
        %run_scoped3A = tpu.sem_alloc : memref<!tpu.dma_semaphore, #tpu.memory_space<semaphore_mem>>
        %dma_start3A_34 = arith.constant 0 : i32
        %dma_start3A_35 = tpu.memref_slice %arg8[%mul3A_33, %dma_start3A_34] : memref<425984x8xf32, #tpu.memory_space<hbm>> -> memref<832x8xf32, #tpu.memory_space<hbm>>
        %dma_start3A_36 = arith.constant 0 : i32
        %dma_start3A_37 = tpu.memref_slice %arg8[%mul3A_33, %dma_start3A_36] : memref<425984x8xf32, #tpu.memory_space<hbm>> -> memref<832x8xf32, #tpu.memory_space<hbm>>
        tpu.enqueue_dma source(%arg12 : memref<832x8xf32, #tpu.memory_space<vmem>>) target(%dma_start3A_37 : memref<832x8xf32, #tpu.memory_space<hbm>>) target_semaphore(%run_scoped3A : memref<!tpu.dma_semaphore, #tpu.memory_space<semaphore_mem>>)
        %dma_wait3A_38 = arith.constant 0 : i32
        %dma_wait3A_39 = tpu.memref_slice %arg8[%mul3A_33, %dma_wait3A_38] : memref<425984x8xf32, #tpu.memory_space<hbm>> -> memref<832x8xf32, #tpu.memory_space<hbm>>
        %dma_wait3A_40 = arith.constant 0 : i32
        %dma_wait3A_41 = tpu.memref_slice %arg8[%mul3A_33, %dma_wait3A_40] : memref<425984x8xf32, #tpu.memory_space<hbm>> -> memref<832x8xf32, #tpu.memory_space<hbm>>
        tpu.wait_dma2 semaphore(%run_scoped3A : memref<!tpu.dma_semaphore, #tpu.memory_space<semaphore_mem>>) src(%arg12 : memref<832x8xf32, #tpu.memory_space<vmem>>) dst(%dma_wait3A_41 : memref<832x8xf32, #tpu.memory_space<hbm>>)
        tpu.yield
      }) : () -> ()
    }
    %scan3A_7 = arith.constant 16 : i32
    return
  }
}

module attributes {stable_mosaic.version = 14 : i64} {
  func.func @_tc_combine_body(%arg0: i32, %arg1: memref<2048x13xf32, #tpu.memory_space<vmem>>, %arg2: memref<13x1xf32, #tpu.memory_space<vmem>>, %arg3: memref<13x64xf32, #tpu.memory_space<vmem>>, %arg4: memref<2048x64xf32, #tpu.memory_space<vmem>>, %arg5: memref<2048x16xf32, #tpu.memory_space<vmem>>, %arg6: memref<2048x208xf32, #tpu.memory_space<vmem>>, %arg7: memref<2048x208xbf16, #tpu.memory_space<vmem>>, %arg8: memref<1x1xf32, #tpu.memory_space<vmem>>, %arg9: memref<2048x1xf32, #tpu.memory_space<vmem>>) attributes {dimension_semantics = [#tpu.dimension_semantics<arbitrary>], iteration_bounds = array<i64: 8>, scalar_prefetch = 0 : i64, scratch_operands = 0 : i64, tpu.core_type = #tpu.core_type<tc>, window_params = [{transform_indices = @transform_0, window_bounds = array<i64: 2048, 13>}, {pipeline_mode = #tpu.pipeline_mode<synchronous>, transform_indices = @transform_1, window_bounds = array<i64: 13, 1>}, {pipeline_mode = #tpu.pipeline_mode<synchronous>, transform_indices = @transform_2, window_bounds = array<i64: 13, 64>}, {transform_indices = @transform_3, window_bounds = array<i64: 2048, 64>}, {transform_indices = @transform_4, window_bounds = array<i64: 2048, 16>}, {transform_indices = @transform_5, window_bounds = array<i64: 2048, 208>}, {transform_indices = @transform_6, window_bounds = array<i64: 2048, 208>}, {pipeline_mode = #tpu.pipeline_mode<synchronous>, transform_indices = @transform_7, window_bounds = array<i64: 1, 1>}, {transform_indices = @transform_8, window_bounds = array<i64: 2048, 1>}]} {
    %get3A = arith.constant 0 : index
    %get3A_0 = arith.constant 0 : index
    %get3A_1 = vector.load %arg1[%get3A, %get3A_0] : memref<2048x13xf32, #tpu.memory_space<vmem>>, vector<2048x13xf32>
    %get3A_2 = arith.constant 0 : index
    %get3A_3 = arith.constant 0 : index
    %get3A_4 = vector.load %arg3[%get3A_2, %get3A_3] : memref<13x64xf32, #tpu.memory_space<vmem>>, vector<13x64xf32>
    %dot_general3A = arith.constant dense<0.000000e+00> : vector<2048x64xf32>
    %dot_general3A_5 = tpu.matmul %get3A_1, %get3A_4, %dot_general3A {dimension_numbers = #tpu.dot_dimension_numbers<[1], [0], [0], [1], [0, 0, 1, 1], [], []>, transpose_lhs_hint = false} : vector<2048x13xf32>, vector<13x64xf32>, vector<2048x64xf32> -> vector<2048x64xf32>
    %get3A_6 = arith.constant 0 : index
    %get3A_7 = arith.constant 0 : index
    %get3A_8 = vector.load %arg4[%get3A_6, %get3A_7] : memref<2048x64xf32, #tpu.memory_space<vmem>>, vector<2048x64xf32>
    %add3A = arith.addf %dot_general3A_5, %get3A_8 : vector<2048x64xf32>
    %mul3A = arith.mulf %add3A, %add3A : vector<2048x64xf32>
    %reduce_sum3A = arith.constant dense<0.000000e+00> : vector<2048xf32>
    %reduce_sum3A_9 = vector.multi_reduction <add>, %mul3A, %reduce_sum3A [1] : vector<2048x64xf32> to vector<2048xf32>
    %broadcast_in_dim3A = vector.shape_cast %reduce_sum3A_9 : vector<2048xf32> to vector<2048x1xf32>
    %get3A_10 = arith.constant 0 : index
    %get3A_11 = arith.constant 0 : index
    %get3A_12 = vector.load %arg5[%get3A_10, %get3A_11] : memref<2048x16xf32, #tpu.memory_space<vmem>>, vector<2048x16xf32>
    %reduce_sum3A_13 = arith.constant dense<0.000000e+00> : vector<2048xf32>
    %reduce_sum3A_14 = vector.multi_reduction <add>, %get3A_12, %reduce_sum3A_13 [1] : vector<2048x16xf32> to vector<2048xf32>
    %broadcast_in_dim3A_15 = vector.shape_cast %reduce_sum3A_14 : vector<2048xf32> to vector<2048x1xf32>
    %get3A_16 = arith.constant 0 : index
    %get3A_17 = arith.constant 0 : index
    %get3A_18 = vector.load %arg6[%get3A_16, %get3A_17] : memref<2048x208xf32, #tpu.memory_space<vmem>>, vector<2048x208xf32>
    %get3A_19 = arith.constant 0 : index
    %get3A_20 = arith.constant 0 : index
    %get3A_21 = vector.load %arg7[%get3A_19, %get3A_20] : memref<2048x208xbf16, #tpu.memory_space<vmem>>, vector<2048x208xbf16>
    %convert_element_type3A = arith.extf %get3A_21 : vector<2048x208xbf16> to vector<2048x208xf32>
    %mul3A_22 = arith.mulf %get3A_18, %convert_element_type3A : vector<2048x208xf32>
    %reduce_sum3A_23 = arith.constant dense<0.000000e+00> : vector<2048xf32>
    %reduce_sum3A_24 = vector.multi_reduction <add>, %mul3A_22, %reduce_sum3A_23 [1] : vector<2048x208xf32> to vector<2048xf32>
    %broadcast_in_dim3A_25 = vector.shape_cast %reduce_sum3A_24 : vector<2048xf32> to vector<2048x1xf32>
    %mul3A_26 = arith.mulf %get3A_4, %get3A_4 : vector<13x64xf32>
    %reduce_sum3A_27 = arith.constant dense<0.000000e+00> : vector<13xf32>
    %reduce_sum3A_28 = vector.multi_reduction <add>, %mul3A_26, %reduce_sum3A_27 [1] : vector<13x64xf32> to vector<13xf32>
    %broadcast_in_dim3A_29 = vector.shape_cast %reduce_sum3A_28 : vector<13xf32> to vector<13x1xf32>
    %mul3A_30 = arith.mulf %get3A_1, %get3A_1 : vector<2048x13xf32>
    %dot_general3A_31 = arith.constant dense<0.000000e+00> : vector<2048x1xf32>
    %dot_general3A_32 = tpu.matmul %mul3A_30, %broadcast_in_dim3A_29, %dot_general3A_31 {dimension_numbers = #tpu.dot_dimension_numbers<[1], [0], [0], [1], [0, 0, 1, 1], [], []>, transpose_lhs_hint = false} : vector<2048x13xf32>, vector<13x1xf32>, vector<2048x1xf32> -> vector<2048x1xf32>
    %get3A_33 = arith.constant 0 : index
    %get3A_34 = arith.constant 0 : index
    %get3A_35 = vector.load %arg2[%get3A_33, %get3A_34] : memref<13x1xf32, #tpu.memory_space<vmem>>, vector<13x1xf32>
    %dot_general3A_36 = arith.constant dense<0.000000e+00> : vector<2048x1xf32>
    %dot_general3A_37 = tpu.matmul %get3A_1, %get3A_35, %dot_general3A_36 {dimension_numbers = #tpu.dot_dimension_numbers<[1], [0], [0], [1], [0, 0, 1, 1], [], []>, transpose_lhs_hint = false} : vector<2048x13xf32>, vector<13x1xf32>, vector<2048x1xf32> -> vector<2048x1xf32>
    %add3A_38 = arith.addf %dot_general3A_37, %broadcast_in_dim3A_25 : vector<2048x1xf32>
    %add3A_39 = arith.addf %dot_general3A_32, %broadcast_in_dim3A_15 : vector<2048x1xf32>
    %sub3A = arith.subf %broadcast_in_dim3A, %add3A_39 : vector<2048x1xf32>
    %mul3A_40 = arith.constant 5.000000e-01 : f32
    %mul3A_41 = vector.broadcast %mul3A_40 : f32 to vector<2048x1xf32>
    %mul3A_42 = arith.mulf %mul3A_41, %sub3A : vector<2048x1xf32>
    %add3A_43 = arith.addf %add3A_38, %mul3A_42 : vector<2048x1xf32>
    %get3A_44 = arith.constant 0 : index
    %get3A_45 = arith.constant 0 : index
    %get3A_46 = vector.load %arg8[%get3A_44, %get3A_45] : memref<1x1xf32, #tpu.memory_space<vmem>>, vector<1x1xf32>
    %get3A_47 = vector.extract %get3A_46[0, 0] : f32 from vector<1x1xf32>
    %add3A_48 = vector.broadcast %get3A_47 : f32 to vector<2048x1xf32>
    %add3A_49 = arith.addf %add3A_43, %add3A_48 : vector<2048x1xf32>
    %swap3A = arith.constant 0 : index
    %swap3A_50 = arith.constant 0 : index
    %swap3A_51 = vector.load %arg9[%swap3A, %swap3A_50] : memref<2048x1xf32, #tpu.memory_space<vmem>>, vector<2048x1xf32>
    tpu.vector_store %arg9[%swap3A, %swap3A_50], %add3A_49 {strides = array<i32>} : memref<2048x1xf32, #tpu.memory_space<vmem>>, vector<2048x1xf32>,
    return
  }
  func.func @transform_0(%arg0: i32) -> (i32, i32) {
    %c0_i32 = arith.constant 0 : i32
    %c0_i32_0 = arith.constant 0 : i32
    return %arg0, %c0_i32 : i32, i32
  }
  func.func @transform_1(%arg0: i32) -> (i32, i32) {
    %c0_i32 = arith.constant 0 : i32
    %c0_i32_0 = arith.constant 0 : i32
    %c0_i32_1 = arith.constant 0 : i32
    return %c0_i32, %c0_i32_0 : i32, i32
  }
  func.func @transform_2(%arg0: i32) -> (i32, i32) {
    %c0_i32 = arith.constant 0 : i32
    %c0_i32_0 = arith.constant 0 : i32
    %c0_i32_1 = arith.constant 0 : i32
    return %c0_i32, %c0_i32_0 : i32, i32
  }
  func.func @transform_3(%arg0: i32) -> (i32, i32) {
    %c0_i32 = arith.constant 0 : i32
    %c0_i32_0 = arith.constant 0 : i32
    return %arg0, %c0_i32 : i32, i32
  }
  func.func @transform_4(%arg0: i32) -> (i32, i32) {
    %c0_i32 = arith.constant 0 : i32
    %c0_i32_0 = arith.constant 0 : i32
    return %arg0, %c0_i32 : i32, i32
  }
  func.func @transform_5(%arg0: i32) -> (i32, i32) {
    %c0_i32 = arith.constant 0 : i32
    %c0_i32_0 = arith.constant 0 : i32
    return %arg0, %c0_i32 : i32, i32
  }
  func.func @transform_6(%arg0: i32) -> (i32, i32) {
    %c0_i32 = arith.constant 0 : i32
    %c0_i32_0 = arith.constant 0 : i32
    return %arg0, %c0_i32 : i32, i32
  }
  func.func @transform_7(%arg0: i32) -> (i32, i32) {
    %c0_i32 = arith.constant 0 : i32
    %c0_i32_0 = arith.constant 0 : i32
    %c0_i32_1 = arith.constant 0 : i32
    return %c0_i32, %c0_i32_0 : i32, i32
  }
  func.func @transform_8(%arg0: i32) -> (i32, i32) {
    %c0_i32 = arith.constant 0 : i32
    %c0_i32_0 = arith.constant 0 : i32
    return %arg0, %c0_i32 : i32, i32
  }
}

</mosaic_0001>

<sc_bundles>
// kernel: kernel.4.cloned.1.call-start
scs
__scs_entry_jumppad:
0x0: {  	(pc) =	sbr.rel $0x88, $3  }
0x1: {  	(tag) =	ssettag $0x0;
	lr =	simm.s32 $0x1  }
0x2: {  	[smem:$0x3F9A] =	sst lr;
	_ =	strace $0xD0000000  }
0x3: {  	_ = 	snop  }
0x4: {  	_ = 	snop  }
0x5: {  	_ = 	snop  }
0x6: {  	_ = 	snop  }
0x7: {  	_ = 	snop  }
__scs_overlays_trampoline_lowered:
0x8: {  	[smem:$0x3FA9] =	sst s0  }
0x9: {  	[smem:$0x3FAA] =	sst s1  }
0xa: {  	[smem:$0x3FAB] =	sst s2  }
0xb: {  	[smem:$0x3FAC] =	sst s3  }
0xc: {  	[smem:$0x3FAD] =	sst s4  }
0xd: {  	[smem:$0x3FAE] =	sst s5  }
0xe: {  	[smem:$0x3FAF] =	sst s6  }
0xf: {  	[smem:$0x3FB0] =	sst s7  }
0x10: {  	[smem:$0x3FB1] =	sst s8  }
0x11: {  	[smem:$0x3FB2] =	sst s9;
	s0 =	simm.s32 @!p0 $0x0  }
0x12: {  	s1 =	sld [smem:$0x3F98];
	s0 =	simm.s32 @p0 $0x1  }
0x13: {  	[smem:$0x3FB3] =	sst s0;
	s0 =	simm.s32 @!p1 $0x0  }
0x14: {  	s2 =	sld [smem:$0x3F97];
	s0 =	simm.s32 @p1 $0x1  }
0x15: {  	[smem:$0x3FB4] =	sst s0;
	s0 =	simm.s32 @!p2 $0x0  }
0x16: {  	s3 =	sld [smem:$0x3FDB];
	s0 =	simm.s32 @p2 $0x1  }
0x17: {  	s4 =	simm.s32 $0x1BF5;
	[smem:$0x3FB6] =	sst s0  }
0x18: {  	s0 =	sld [smem:$0x3F99];
	_ =	swait.ge [sflag:s4], $0x0  }
0x19: {  	s7 =	sld [smem:$0x3F9A]  }
0x1a: {  	s8 =	sadd.s32 $0xFFFFE003, lr  }
0x1b: {  	s9 =	sadd.s32 $0xFFFFFEF7, lr;
	s5 =	simm.s32 $0xFFFFFFFF;
	p2 =	slt.u32 s8, $0xFFFFF086  }
0x1c: {  	p1 =	slt.u32 s9, $0xF7A;
	s5 =	simm.s32 @!p2 $0x0  }
0x1d: {  	s5 =	simm.s32 @p1 $0x1;
	p0 =	seq.s32 s7, s2  }
0x1e: {  	s7 =	smul.u32 @!p0 $0xF7A, s2;
	p2 =	seq.s32 @!p0 s5, $0x0  }
0x1f: {  	s9 =	smul.u32 $0xF7A, s1;
	s8 =	simm.s32 @!p0 $0x1BF5;
	p2 =	por !p2, p0  }
0x20: {  	[sflag:s8] =	ssyncset.s32 @!p0 $0xFFFFF086;
	s6 =	sadd.s32 @!p0 s3, s7;
	s7 =	simm.s32 @!p0 $0x108  }
0x21: {  	s3 =	sadd.s32 s3, s9;
	s6 =	sadd.s32 @!p0 $0x88, s6;
	s7 =	simm.s32 @p2 $0x1082  }
0x22: {  	[simem:s7], [sflag:s8] =	dma.local @!p0 [hbm:s6], $0xF7A  }
0x23: {  	s9 =	sor.u32 $0xD0000000, s2;
	s6 =	simm.s32 $0x108;
	_ =	swait.ge @!p0 [sflag:s8], $0x0  }
0x24: {  	s3 =	sadd.s32 $0x88, s3;
	s6 =	simm.s32 @!p1 $0x1082;
	[sflag:s4] =	ssyncset.s32 $0xFFFFF086  }
0x25: {  	[simem:s6], [sflag:s4] =	dma.local [hbm:s3], $0xF7A  }
0x26: {  	[smem:$0x3F9A] =	sst s1;
	(tag) =	ssettag s2;
	_ =	strace s9  }
0x27: {  	s1 =	sld [smem:$0x3FAA]  }
0x28: {  	s2 =	sld [smem:$0x3FAB]  }
0x29: {  	s4 =	sld [smem:$0x3FAD]  }
0x2a: {  	p0 =	seq.s32 s5, $0x0;
	s5 =	sld [smem:$0x3FAE]  }
0x2b: {  	s6 =	sld [smem:$0x3FAF]  }
0x2c: {  	s7 =	sld [smem:$0x3FB0]  }
0x2d: {  	s3 =	simm.s32 $0x108;
	s8 =	sld [smem:$0x3FB1]  }
0x2e: {  	s3 =	simm.s32 @!p0 $0x1082;
	s9 =	sld [smem:$0x3FB2]  }
0x2f: {  	lr =	sadd.s32 s0, s3;
	s0 =	sld [smem:$0x3FA9]  }
0x30: {  	s3 =	sld [smem:$0x3FAC]  }
0x31: {  	[smem:$0x3FB5] =	sst s10  }
0x32: {  	s10 =	sld [smem:$0x3FB3];
	_ =	sdelay $0x3  }
0x33: {  	p0 =	seq.s32 s10, $0x1;
	s10 =	sld [smem:$0x3FB5];
	_ =	sdelay $0x3  }
0x34: {  	[smem:$0x3FB5] =	sst s10  }
0x35: {  	s10 =	sld [smem:$0x3FB4];
	_ =	sdelay $0x3  }
0x36: {  	p1 =	seq.s32 s10, $0x1;
	s10 =	sld [smem:$0x3FB5];
	_ =	sdelay $0x3  }
0x37: {  	[smem:$0x3FB5] =	sst s10  }
0x38: {  	s10 =	sld [smem:$0x3FB6]  }
0x39: {  	_ = 	snop;
	(pc) =	sbr.ind lr, $3  }
0x3a: {  	_ = 	snop  }
0x3b: {  	_ = 	snop  }
0x3c: {  	p2 =	seq.s32 s10, $0x1;
	s10 =	sld [smem:$0x3FB5]  }
0x3d: {  	_ =	shalt  }
0x3e: {  	_ =	shalt  }
0x3f: {  	_ =	shalt  }
0x40: {  	_ =	shalt  }
0x41: {  	_ =	shalt  }
0x42: {  	_ =	shalt  }
0x43: {  	_ =	shalt  }
0x44: {  	_ =	shalt  }
0x45: {  	_ =	shalt  }
0x46: {  	_ =	shalt  }
0x47: {  	_ =	shalt  }
0x48: {  	_ =	shalt  }
0x49: {  	_ =	shalt  }
0x4a: {  	_ =	shalt  }
0x4b: {  	_ =	shalt  }
0x4c: {  	_ =	shalt  }
0x4d: {  	_ =	shalt  }
0x4e: {  	_ =	shalt  }
0x4f: {  	_ =	shalt  }
0x50: {  	_ =	shalt  }
0x51: {  	_ =	shalt  }
0x52: {  	_ =	shalt  }
0x53: {  	_ =	shalt  }
0x54: {  	_ =	shalt  }
0x55: {  	_ =	shalt  }
0x56: {  	_ =	shalt  }
0x57: {  	_ =	shalt  }
0x58: {  	_ =	shalt  }
0x59: {  	_ =	shalt  }
0x5a: {  	_ =	shalt  }
0x5b: {  	_ =	shalt  }
0x5c: {  	_ =	shalt  }
0x5d: {  	_ =	shalt  }
0x5e: {  	_ =	shalt  }
0x5f: {  	_ =	shalt  }
0x60: {  	_ =	shalt  }
0x61: {  	_ =	shalt  }
0x62: {  	_ =	shalt  }
0x63: {  	_ =	shalt  }
0x64: {  	_ =	shalt  }
0x65: {  	_ =	shalt  }
0x66: {  	_ =	shalt  }
0x67: {  	_ =	shalt  }
0x68: {  	_ =	shalt  }
0x69: {  	_ =	shalt  }
0x6a: {  	_ =	shalt  }
0x6b: {  	_ =	shalt  }
0x6c: {  	_ =	shalt  }
0x6d: {  	_ =	shalt  }
0x6e: {  	_ =	shalt  }
0x6f: {  	_ =	shalt  }
0x70: {  	_ =	shalt  }
0x71: {  	_ =	shalt  }
0x72: {  	_ =	shalt  }
0x73: {  	_ =	shalt  }
0x74: {  	_ =	shalt  }
0x75: {  	_ =	shalt  }
0x76: {  	_ =	shalt  }
0x77: {  	_ =	shalt  }
0x78: {  	_ =	shalt  }
0x79: {  	_ =	shalt  }
0x7a: {  	_ =	shalt  }
0x7b: {  	_ =	shalt  }
0x7c: {  	_ =	shalt  }
0x7d: {  	_ =	shalt  }
0x7e: {  	_ =	shalt  }
0x7f: {  	_ =	shalt  }
0x80: {  	_ =	shalt  }
0x81: {  	_ =	shalt  }
0x82: {  	_ =	shalt  }
0x83: {  	_ =	shalt  }
0x84: {  	_ =	shalt  }
0x85: {  	_ =	shalt  }
0x86: {  	_ =	shalt  }
0x87: {  	_ =	shalt  }
.Lfunc_end0:
.L_simem_size_0:
called_computation_lowered:
.L_overlay_start_0:
0x88: {  	s2 =	sld [smem:$0x3FD9]  }
0x89: {  	s3 =	sld [smem:$0x3FFE];
	_ =	sdelay $0x1  }
0x8a: {  	s1 =	srdreg.scid  }
0x8b: {  	s0 =	sand.u32 $0x1, s1  }
0x8c: {  	s16 =	sshll.u32 s0, $0xA;
	s2 =	sadd.s32 s3, s2  }
0x8d: {  	s2 =	sadd.s32 s2, s16  }
0x8e: {  	[smem:$0x3FC1] =	sst s2  }
0x8f: {  	_ = 	snop  }
0x90: {  	(tm) =	ssettm $0x1  }
0x91: {  	s17 =	sld [smem:$0x3FFB];
	_ =	sdelay $0x3  }
0x92: {  	_ =	strace s17  }
0x93: {  	s2 =	sld [smem:$0x3FFC];
	_ =	sdelay $0x3  }
0x94: {  	_ =	strace s2  }
0x95: {  	s2 =	sld [smem:$0x3FFD];
	_ =	sdelay $0x3  }
0x96: {  	_ =	strace s2  }
0x97: {  	_ =	strace $0x8FFFFFFF  }
0x98: {  	s18 =	sld [smem:$0x3FDB];
	_ =	sdelay $0x1  }
0x99: {  	s19 =	simm.s32 $_scs_section_size  }
0x9a: {  	s4 =	simm.s32 $_size__tile_overlayer_lowered;
	s5 =	simm.s32 $_tile_overlayer_lowered  }
0x9b: {  	s22 =	simm.s32 $0x1BFF;
	s21 =	sshll.u32 s5, $0x1;
	s2 =	sadd.s32 s19, s18  }
0x9c: {  	s6 =	simm.s32 $0x0;
	s20 =	sshll.u32 s4, $0x1;
	s4 =	sadd.s32 s21, s2  }
0x9d: {  	[timem:s6], [sflag:s22] =	dma.local [hbm:s4], s20  }
0x9e: {  	_ =	swait.ge [sflag:s22], s20  }
0x9f: {  	s3 =	ssub.s32 $0x0, s20;
	[sflag:s22] =	ssyncset.done $0x0  }
0xa0: {  	[sflag:s22] =	ssyncadd.s32 s3;
	_ =	sdelay $0x1  }
0xa1: {  	s23 =	simm.s32 $0x1B8B  }
0xa2: {  	_ =	swait.ge [sflag:s23], $0x1  }
0xa3: {  	[sflag:s23] =	ssyncset.done $0x0  }
0xa4: {  	s25 =	simm.s32 $0x1B8E;
	s24 =	sld [smem:$0x3FFE];
	[sflag:s23] =	ssyncadd.s32 $0xFFFFFFFF  }
0xa5: {  	s26 =	simm.s32 $execute0_lowered;
	[smem:$0x3FD2] =	sst s25  }
0xa6: {  	s4 =	sshll.u32 s26, $0x1;
	_ =	strace $0x80000046;
	[dreg:$0x1] =	wrdreg $0xFFFFFFFF  }
0xa7: {  	s28 =	simm.s32 $_size_execute0_lowered;
	s2 =	sadd.s32 s2, s4;
	[dreg:$0x0] =	wrdreg $0x0  }
0xa8: {  	s4 =	sshll.u32 s28, $0x1;
	[dreg:$0x2] =	wrdreg s2  }
0xa9: {  	[dreg:$0x3] =	wrdreg s4  }
0xaa: {  	[dreg:$0x4] =	wrdreg $0xC0  }
0xab: {  	_ =	task [dreg:s6], $0x5FFFF  }
0xac: {  	[dreg:$0x1] =	wrdreg $0xFFFFFFFF  }
0xad: {  	[dreg:$0x0] =	wrdreg $0x60  }
0xae: {  	[dreg:$0x2] =	wrdreg s24  }
0xaf: {  	[dreg:$0x3] =	wrdreg $0x9  }
0xb0: {  	_ =	task.clear_ibuf [dreg:s6], $0x4FFFF;
	_ =	strace $0x90000046  }
0xb1: {  	s29 =	simm.s32 $0x9;
	_ =	strace $0x80000048  }
0xb2: {  	_ =	swait.ge [sflag:s29], $0x1  }
0xb3: {  	[sflag:s29] =	ssyncadd.s32 $0xFFFFFFFF  }
0xb4: {  	_ =	strace $0x90000048  }
0xb5: {  	_ =	sfence  }
0xb6: {  	s30 =	sld [smem:$0x0];
	_ =	sdelay $0x2  }
0xb7: {  	s31 =	sshll.u32 s1, $0xD;
	s1 =	sshrl.u32 s1, $0x2  }
0xb8: {  	s3 =	sand.u32 $0x4000, s31;
	s1 =	sadd.s32 s1, s30  }
0xb9: {  	s0 =	sor.u32 s3, s0;
	s1 =	sshll.u32 s1, $0x11  }
0xba: {  	s0 =	sor.u32 s1, s0  }
0xbb: {  	s0 =	sadd.s32 $0x8F2B, s0  }
0xbc: {  	[sflag:s0] =	ssyncadd.remote.s32 $0x1  }
0xbd: {  	_ =	sfence.sel $0xFFFF  }
0xbe: {  	[dreg:$0x0] =	wrdreg $0xFFFFFFFF;
	(pc) =	sbr.abs _section_cstart, $3  }
0xbf: {  	[dreg:$0x1] =	wrdreg $0xFFFFFFFF  }
0xc0: {  	_ =	task.clear_ibuf [dreg:s6], $0x2FFFF;
	_ =	strace $0x9FFFFFFF  }
0xc1: {  	(tm) =	ssettm $0x7FFFFFFF  }
tec
execute0_lowered:
.L_overlay_start_1:
0x0: {  	(tag) =	ssettag $0x1  }
0x1: {  	s9 =	rddreg [dreg:$0x0]  }
0x2: {  	s0 =	rddreg [dreg:$0x1];
	s1 =	simm.s32 $0x0;
	s5 =	srdreg.scid  }
0x3: {  	s13 =	simm.s32 $0x340;
	s14 =	simm.s32 $0x680;
	s15 =	simm.s32 $0xD680  }
0x4: {  	s16 =	simm.s32 $0x1;
	s17 =	simm.s32 $0x2;
	s18 =	simm.s32 $0xF080  }
0x5: {  	s19 =	simm.s32 $0xF880;
	s20 =	simm.s32 $0x0;
	[smem:$0x7FF] =	sst s1  }
0x6: {  	s2 =	sadd.s32 $0x27D7C00, s9;
	s3 =	sadd.s32 $0x2B800, s9;
	s4 =	sadd.s32 $0x1E800, s9  }
0x7: {  	s10 =	sand.u32 $0x1, s5;
	s6 =	sadd.s32 $0x11800, s9;
	s7 =	sadd.s32 $0xEAE00, s9  }
0x8: {  	s8 =	sadd.s32 $0xE2E00, s9;
	s5 =	stileid.u32;
	s11 =	ssub.s32 $0x2, s10  }
0x9: {  	s9 =	sadd.s32 $0x7AE00, s9;
	_ =	strace $0x80000047;
	s12 =	sshrl.u32 s11, $0x1  }
0xa: {  	s31 =	sshll.u32 s5, $0xA;
	s10 =	sshll.u32 s10, $0x9;
	s11 =	ssub.s32 s11, s12  }
0xb: {  	s10 =	sor.u32 s10, s31;
	s12 =	simm.s32 $0x3;
	s11 =	smax.u32 s11, $0x1  }
.LBB2_1:
0xc: {  	s21 =	simm.s32 $0x0  }
.LBB2_2:
0xd: {  	s22 =	sshll.u32 s21, $0x5  }
0xe: {  	s23 =	sadd.s32 s10, s22  }
0xf: {  	s22 =	smul.u32 $0x1A, s23;
	_ =	sdelay $0x1  }
0x10: {  	s24 =	sshrl.u32 s22, $0x3  }
0x11: {  	s26 =	simm.s32 $0x0;
	s25 =	sadd.s32 s4, s24  }
0x12: {  	[tilespmem:s26], [sflag:$0x3] =	stream.linear.gather [hbm4b:s25+s26], $0x340, $0x38;
	[tilespmem:$0xFA80] =	vst v63  }
0x13: {  	_ =	swait.ge [sflag:s12], $0x340  }
0x14: {  	[sflag:s12] =	ssyncset.done $0x0  }
0x15: {  	s24 =	sadd.s32 s6, s24;
	[sflag:s12] =	ssyncadd.s32 $0xFFFFFCC0  }
0x16: {  	[tilespmem:s13], [sflag:$0x3] =	stream.linear.gather [hbm4b:s24+s26], $0x340, $0x38;
	[tilespmem:$0xFA80] =	vst v63  }
0x17: {  	_ =	swait.ge [sflag:s12], $0x340  }
0x18: {  	[sflag:s12] =	ssyncset.done $0x0  }
0x19: {  	[sflag:s12] =	ssyncadd.s32 $0xFFFFFCC0  }
0x1a: {  	[tilespmem:s14], [sflag:$0x1] =	stream.indirect.gather [hbm4b:s2+s13], $0x40, s26, s13, $0xb8;
	[tilespmem:$0xFA80] =	vst v63  }
0x1b: {  	_ = 	snop  }
0x1c: {  	[tilespmem:s15], [sflag:$0x2] =	stream.indirect.gather [hbm4b:s3+s13], $0x8, s13, s13, $0xb8;
	[tilespmem:$0xFA80] =	vst v63  }
0x1d: {  	_ =	swait.ge [sflag:s16], $0xD000  }
0x1e: {  	[sflag:s16] =	ssyncset.done $0x0  }
0x1f: {  	[sflag:s16] =	ssyncadd.s32 $0xFFFF3000  }
0x20: {  	_ =	swait.ge [sflag:s17], $0x1A00  }
0x21: {  	[sflag:s17] =	ssyncset.done $0x0  }
0x22: {  	s24 =	simm.s32 $0x9C0;
	[sflag:s17] =	ssyncadd.s32 $0xFFFFE600  }
0x23: {  	v1 =	vld [tilespmem:s24+$0xFFFFFD60]  }
0x24: {  	v2 =	vld [tilespmem:s24+$0xFFFFFD20]  }
0x25: {  	v3 =	vld [tilespmem:s24+$0xFFFFFD00]  }
0x26: {  	v4 =	vld [tilespmem:s24+$0xFFFFFD40]  }
0x27: {  	v5 =	vld [tilespmem:s24+$0xFFFFFCE0]  }
0x28: {  	v6 =	vld [tilespmem:s24+$0xFFFFFCC0]  }
0x29: {  	v7 =	vld [tilespmem:s24+$0xFFFFFD80]  }
0x2a: {  	v8 =	vld [tilespmem:s24+$0xFFFFFDA0]  }
0x2b: {  	v10 =	vld [tilespmem:s24+$0xFFFFFDC0]  }
0x2c: {  	v51 =	vld [tilespmem:s24+$0xFFFFFDE0]  }
0x2d: {  	v14 =	vld [tilespmem:s24+$0xFFFFFE00]  }
0x2e: {  	v53 =	vld [tilespmem:s24+$0xFFFFFE20]  }
0x2f: {  	v16 =	vld [tilespmem:s24+$0xFFFFFE40];
	v9 =	vmul.f32 v2, v2;
	v11 =	vmul.f32 v5, v5  }
0x30: {  	v57 =	vld [tilespmem:s24+$0xFFFFFE60];
	v12 =	vmul.f32 v3, v3;
	v13 =	vmul.f32 v6, v6  }
0x31: {  	v59 =	vld [tilespmem:s24+$0xFFFFFE80];
	v2 =	vadd.f32 v2, v5;
	v52 =	vmul.f32 v1, v1;
	v54 =	vmul.f32 v4, v4  }
0x32: {  	v61 =	vld [tilespmem:s24+$0xFFFFFEA0];
	v3 =	vadd.f32 v3, v6;
	v15 =	vmul.f32 v8, v8;
	v56 =	vmul.f32 v10, v10  }
0x33: {  	v63 =	vld [tilespmem:s24+$0xFFFFFEC0];
	v58 =	vmul.f32 v51, v51;
	v60 =	vmul.f32 v14, v14;
	v9 =	vadd.f32 v9, v11  }
0x34: {  	v21 =	vld [tilespmem:s24+$0xFFFFFEE0];
	v62 =	vmul.f32 v53, v53;
	v1 =	vadd.f32 v1, v2;
	v12 =	vadd.f32 v12, v13  }
0x35: {  	v23 =	vld [tilespmem:s24+$0xFFFFFF00];
	v20 =	vmul.f32 v16, v16;
	v3 =	vadd.f32 v4, v3;
	v55 =	vadd.f32 v52, v9  }
0x36: {  	v25 =	vld [tilespmem:s24+$0xFFFFFF20];
	v2 =	vmul.f32 v7, v7;
	v12 =	vadd.f32 v54, v12;
	v1 =	vadd.f32 v8, v1  }
0x37: {  	v27 =	vld [tilespmem:s24+$0xFFFFFF40];
	v22 =	vmul.f32 v57, v57;
	v3 =	vadd.f32 v7, v3;
	v4 =	vadd.f32 v15, v55  }
0x38: {  	v29 =	vld [tilespmem:s24+$0xFFFFFF60];
	v24 =	vmul.f32 v59, v59;
	v2 =	vadd.f32 v2, v12;
	v1 =	vadd.f32 v51, v1  }
0x39: {  	v31 =	vld [tilespmem:s24+$0xFFFFFF80];
	v26 =	vmul.f32 v61, v61;
	v3 =	vadd.f32 v10, v3;
	v4 =	vadd.f32 v58, v4  }
0x3a: {  	v33 =	vld [tilespmem:s24+$0xFFFFFFA0];
	v28 =	vmul.f32 v63, v63;
	v2 =	vadd.f32 v56, v2;
	v1 =	vadd.f32 v53, v1  }
0x3b: {  	v35 =	vld [tilespmem:s24+$0xFFFFFFC0];
	v30 =	vmul.f32 v21, v21;
	v3 =	vadd.f32 v14, v3;
	v4 =	vadd.f32 v62, v4  }
0x3c: {  	v37 =	vld [tilespmem:s24+$0xFFFFFFE0];
	v32 =	vmul.f32 v23, v23;
	v2 =	vadd.f32 v60, v2;
	v1 =	vadd.f32 v57, v1  }
0x3d: {  	v39 =	vld [tilespmem:s24+$0x0];
	v34 =	vmul.f32 v25, v25;
	v3 =	vadd.f32 v16, v3;
	v4 =	vadd.f32 v22, v4  }
0x3e: {  	v41 =	vld [tilespmem:s24+$0x20];
	v36 =	vmul.f32 v27, v27;
	v2 =	vadd.f32 v20, v2;
	v1 =	vadd.f32 v61, v1  }
0x3f: {  	v43 =	vld [tilespmem:s24+$0x40];
	v38 =	vmul.f32 v29, v29;
	v3 =	vadd.f32 v59, v3;
	v4 =	vadd.f32 v26, v4  }
0x40: {  	v45 =	vld [tilespmem:s24+$0x60];
	v40 =	vmul.f32 v31, v31;
	v2 =	vadd.f32 v24, v2;
	v1 =	vadd.f32 v21, v1  }
0x41: {  	v47 =	vld [tilespmem:s24+$0x80];
	v42 =	vmul.f32 v33, v33;
	v3 =	vadd.f32 v63, v3;
	v4 =	vadd.f32 v30, v4  }
0x42: {  	v49 =	vld [tilespmem:s24+$0xA0];
	v44 =	vmul.f32 v35, v35;
	v2 =	vadd.f32 v28, v2;
	v1 =	vadd.f32 v25, v1  }
0x43: {  	v17 =	vld [tilespmem:s24+$0xFFFFFD30];
	v46 =	vmul.f32 v37, v37;
	v3 =	vadd.f32 v23, v3;
	v4 =	vadd.f32 v34, v4  }
0x44: {  	v48 =	vmul.f32 v39, v39;
	v51 =	vld [tilespmem:s24+$0xC0];
	v2 =	vadd.f32 v32, v2;
	v1 =	vadd.f32 v29, v1  }
0x45: {  	v50 =	vmul.f32 v41, v41;
	v55 =	vld [tilespmem:s24+$0x100];
	v3 =	vadd.f32 v27, v3;
	v4 =	vadd.f32 v38, v4  }
0x46: {  	v52 =	vmul.f32 v43, v43;
	v53 =	vld [tilespmem:s24+$0xE0];
	v2 =	vadd.f32 v36, v2;
	v1 =	vadd.f32 v33, v1  }
0x47: {  	v54 =	vmul.f32 v45, v45;
	v57 =	vld [tilespmem:s24+$0x120];
	v3 =	vadd.f32 v31, v3;
	v4 =	vadd.f32 v42, v4  }
0x48: {  	v56 =	vmul.f32 v47, v47;
	v59 =	vld [tilespmem:s24+$0x140];
	v2 =	vadd.f32 v40, v2;
	v1 =	vadd.f32 v37, v1  }
0x49: {  	v58 =	vmul.f32 v49, v49;
	v61 =	vld [tilespmem:s24+$0x160];
	v3 =	vadd.f32 v35, v3;
	v4 =	vadd.f32 v46, v4  }
0x4a: {  	v60 =	vmul.f32 v51, v51;
	v2 =	vadd.f32 v44, v2;
	v1 =	vadd.f32 v41, v1;
	v46 =	vld [tilespmem:s24+$0xFFFFFCF0]  }
0x4b: {  	v19 =	vmul.f32 v55, v55;
	v3 =	vadd.f32 v39, v3;
	v4 =	vadd.f32 v50, v4  }
0x4c: {  	v62 =	vmul.f32 v53, v53;
	v44 =	vld [tilespmem:s24+$0xFFFFFD10];
	v2 =	vadd.f32 v48, v2;
	v1 =	vadd.f32 v45, v1  }
0x4d: {  	v21 =	vmul.f32 v57, v57;
	v3 =	vadd.f32 v43, v3;
	v50 =	vld [tilespmem:s24+$0xFFFFFD70];
	v4 =	vadd.f32 v54, v4  }
0x4e: {  	v23 =	vmul.f32 v59, v59;
	v48 =	vld [tilespmem:s24+$0xFFFFFCD0];
	v2 =	vadd.f32 v52, v2;
	v1 =	vadd.f32 v49, v1  }
0x4f: {  	v20 =	vld [tilespmem:s24+$0x1A0];
	v25 =	vmul.f32 v61, v61;
	v3 =	vadd.f32 v47, v3;
	v9 =	vadd.f32 v17, v46  }
0x50: {  	v63 =	vld [tilespmem:s24+$0x180];
	v52 =	vmul.f32 v46, v46;
	v4 =	vadd.f32 v58, v4;
	v2 =	vadd.f32 v56, v2  }
0x51: {  	v18 =	vld [tilespmem:s24+$0xFFFFFD50];
	v14 =	vmul.f32 v44, v44;
	v1 =	vadd.f32 v53, v1;
	v3 =	vadd.f32 v51, v3  }
0x52: {  	v22 =	vld [tilespmem:s24+$0x1C0];
	v51 =	vmul.f32 v17, v17;
	v9 =	vadd.f32 v50, v9;
	v4 =	vadd.f32 v62, v4  }
0x53: {  	v24 =	vld [tilespmem:s24+$0x1E0];
	v54 =	vmul.f32 v48, v48;
	v2 =	vadd.f32 v60, v2;
	v1 =	vadd.f32 v57, v1  }
0x54: {  	v26 =	vld [tilespmem:s24+$0x200];
	v29 =	vmul.f32 v20, v20;
	v3 =	vadd.f32 v55, v3;
	v55 =	vadd.f32 v44, v48  }
0x55: {  	v28 =	vld [tilespmem:s24+$0x220];
	v27 =	vmul.f32 v63, v63;
	v8 =	vadd.f32 v51, v52;
	v11 =	vadd.f32 v14, v54  }
0x56: {  	v53 =	vld [tilespmem:s24+$0xFFFFFD90];
	v57 =	vmul.f32 v50, v50;
	v4 =	vadd.f32 v21, v4;
	v2 =	vadd.f32 v19, v2  }
0x57: {  	v30 =	vld [tilespmem:s24+$0x240];
	v31 =	vmul.f32 v22, v22;
	v1 =	vadd.f32 v61, v1;
	v3 =	vadd.f32 v59, v3  }
0x58: {  	v58 =	vld [tilespmem:s24+$0xFFFFFDD0];
	v59 =	vmul.f32 v18, v18;
	v8 =	vadd.f32 v57, v8;
	v4 =	vadd.f32 v25, v4  }
0x59: {  	v32 =	vld [tilespmem:s24+$0x260];
	v33 =	vmul.f32 v24, v24;
	v2 =	vadd.f32 v23, v2;
	v1 =	vadd.f32 v20, v1  }
0x5a: {  	v35 =	vmul.f32 v26, v26;
	v62 =	vld [tilespmem:s24+$0xFFFFFE10];
	v3 =	vadd.f32 v63, v3;
	v11 =	vadd.f32 v59, v11  }
0x5b: {  	v12 =	vmul.f32 v53, v53;
	v20 =	vld [tilespmem:s24+$0xFFFFFDB0];
	v4 =	vadd.f32 v29, v4;
	v2 =	vadd.f32 v27, v2  }
0x5c: {  	v34 =	vld [tilespmem:s24+$0x280];
	v37 =	vmul.f32 v28, v28;
	v1 =	vadd.f32 v24, v1;
	v3 =	vadd.f32 v22, v3  }
0x5d: {  	v36 =	vld [tilespmem:s24+$0x2A0];
	v11 =	vadd.f32 v12, v11;
	v24 =	vmul.f32 v58, v58;
	v4 =	vadd.f32 v33, v4  }
0x5e: {  	v42 =	vmul.f32 v32, v32;
	v56 =	vld [tilespmem:s24+$0xFFFFFDF0];
	v2 =	vadd.f32 v31, v2;
	v41 =	vadd.f32 v28, v1  }
0x5f: {  	v38 =	vld [tilespmem:s24+$0x2C0];
	v39 =	vmul.f32 v30, v30;
	v3 =	vadd.f32 v26, v3;
	v11 =	vadd.f32 v24, v11  }
0x60: {  	v22 =	vld [tilespmem:s24+$0xFFFFFE50];
	v28 =	vmul.f32 v62, v62;
	v9 =	vadd.f32 v20, v9;
	v4 =	vadd.f32 v37, v4  }
0x61: {  	v60 =	vld [tilespmem:s24+$0xFFFFFE30];
	v61 =	vmul.f32 v20, v20;
	v2 =	vadd.f32 v35, v2;
	v6 =	vadd.f32 v32, v41  }
0x62: {  	v40 =	vld [tilespmem:s24+$0x2E0];
	v43 =	vmul.f32 v34, v34;
	v3 =	vadd.f32 v30, v3;
	v11 =	vadd.f32 v28, v11  }
0x63: {  	v45 =	vmul.f32 v36, v36;
	v8 =	vadd.f32 v61, v8;
	v9 =	vadd.f32 v56, v9  }
0x64: {  	v21 =	vmul.f32 v56, v56;
	v27 =	vld [tilespmem:s24+$0xFFFFFE90];
	v4 =	vadd.f32 v42, v4;
	v2 =	vadd.f32 v39, v2  }
0x65: {  	v63 =	vld [tilespmem:s24+$0xFFFFFE70];
	v32 =	vmul.f32 v22, v22;
	v6 =	vadd.f32 v36, v6;
	v13 =	vadd.f32 v34, v3  }
0x66: {  	v0 =	vld [tilespmem:s24+$0x300];
	v47 =	vmul.f32 v38, v38;
	v8 =	vadd.f32 v21, v8;
	v9 =	vadd.f32 v60, v9  }
0x67: {  	v49 =	vmul.f32 v40, v40;
	v25 =	vld [tilespmem:s24+$0xFFFFFEB0];
	v11 =	vadd.f32 v32, v11;
	v7 =	vadd.f32 v45, v4  }
0x68: {  	v1 =	vld [tilespmem:s24+$0x320];
	v26 =	vmul.f32 v60, v60;
	v19 =	vadd.f32 v43, v2;
	v2 =	vadd.f32 v40, v6  }
0x69: {  	v31 =	vld [tilespmem:s24+$0xFFFFFED0];
	v36 =	vmul.f32 v27, v27;
	v4 =	vadd.f32 v38, v13;
	v13 =	vadd.f32 v18, v55  }
0x6a: {  	v30 =	vmul.f32 v63, v63;
	v8 =	vadd.f32 v26, v8;
	v9 =	vadd.f32 v63, v9  }
0x6b: {  	v29 =	vld [tilespmem:s24+$0xFFFFFEF0];
	v3 =	vmul.f32 v0, v0;
	v11 =	vadd.f32 v36, v11;
	v13 =	vadd.f32 v53, v13  }
0x6c: {  	v33 =	vld [tilespmem:s24+$0xFFFFFF30];
	v34 =	vmul.f32 v25, v25;
	v6 =	vadd.f32 v49, v7;
	v7 =	vadd.f32 v47, v19  }
0x6d: {  	v35 =	vld [tilespmem:s24+$0xFFFFFF10];
	v5 =	vmul.f32 v1, v1;
	v0 =	vadd.f32 v0, v4;
	v23 =	vadd.f32 v58, v13  }
0x6e: {  	v37 =	vld [tilespmem:s24+$0xFFFFFF70];
	v40 =	vmul.f32 v31, v31;
	v1 =	vadd.f32 v1, v2;
	v8 =	vadd.f32 v30, v8  }
0x6f: {  	v39 =	vld [tilespmem:s24+$0xFFFFFF50];
	v9 =	vadd.f32 v25, v9;
	v12 =	vadd.f32 v62, v23  }
0x70: {  	v41 =	vld [tilespmem:s24+$0xFFFFFFB0];
	v38 =	vmul.f32 v29, v29;
	v11 =	vadd.f32 v40, v11;
	v8 =	vadd.f32 v34, v8  }
0x71: {  	v42 =	vmul.f32 v33, v33;
	v43 =	vld [tilespmem:s24+$0xFFFFFF90];
	v5 =	vadd.f32 v5, v6;
	v12 =	vadd.f32 v22, v12  }
0x72: {  	v45 =	vld [tilespmem:s24+$0xFFFFFFF0];
	v44 =	vmul.f32 v35, v35;
	v3 =	vadd.f32 v3, v7;
	v8 =	vadd.f32 v38, v8  }
0x73: {  	v46 =	vmul.f32 v37, v37;
	v47 =	vld [tilespmem:s24+$0xFFFFFFD0];
	v9 =	vadd.f32 v29, v9;
	v12 =	vadd.f32 v27, v12  }
0x74: {  	v51 =	vld [tilespmem:s24+$0x10];
	v48 =	vmul.f32 v39, v39;
	v11 =	vadd.f32 v44, v11;
	v8 =	vadd.f32 v42, v8  }
0x75: {  	v50 =	vmul.f32 v41, v41;
	v49 =	vld [tilespmem:s24+$0x30];
	v9 =	vadd.f32 v33, v9;
	v12 =	vadd.f32 v31, v12  }
0x76: {  	v55 =	vld [tilespmem:s24+$0x50];
	v52 =	vmul.f32 v43, v43;
	v11 =	vadd.f32 v48, v11;
	v8 =	vadd.f32 v46, v8  }
0x77: {  	v53 =	vld [tilespmem:s24+$0x70];
	v54 =	vmul.f32 v45, v45;
	v9 =	vadd.f32 v37, v9;
	v12 =	vadd.f32 v35, v12  }
0x78: {  	v59 =	vld [tilespmem:s24+$0x90];
	v56 =	vmul.f32 v47, v47;
	v11 =	vadd.f32 v52, v11;
	v8 =	vadd.f32 v50, v8  }
0x79: {  	v57 =	vld [tilespmem:s24+$0xB0];
	v60 =	vmul.f32 v51, v51;
	v9 =	vadd.f32 v41, v9;
	v12 =	vadd.f32 v39, v12  }
0x7a: {  	v63 =	vld [tilespmem:s24+$0xD0];
	v58 =	vmul.f32 v49, v49;
	v11 =	vadd.f32 v56, v11;
	v8 =	vadd.f32 v54, v8  }
0x7b: {  	v61 =	vld [tilespmem:s24+$0xF0];
	v21 =	vmul.f32 v55, v55;
	v9 =	vadd.f32 v45, v9;
	v12 =	vadd.f32 v43, v12  }
0x7c: {  	v24 =	vld [tilespmem:s24+$0x110];
	v62 =	vmul.f32 v53, v53;
	v11 =	vadd.f32 v60, v11;
	v8 =	vadd.f32 v58, v8  }
0x7d: {  	v25 =	vmul.f32 v59, v59;
	v22 =	vld [tilespmem:s24+$0x130];
	v9 =	vadd.f32 v49, v9;
	v12 =	vadd.f32 v47, v12  }
0x7e: {  	v28 =	vld [tilespmem:s24+$0x150];
	v23 =	vmul.f32 v57, v57;
	v11 =	vadd.f32 v21, v11;
	v8 =	vadd.f32 v62, v8  }
0x7f: {  	v26 =	vld [tilespmem:s24+$0x170];
	v29 =	vmul.f32 v63, v63;
	v9 =	vadd.f32 v53, v9;
	v12 =	vadd.f32 v51, v12  }
0x80: {  	v32 =	vld [tilespmem:s24+$0x190];
	v27 =	vmul.f32 v61, v61;
	v11 =	vadd.f32 v25, v11;
	v8 =	vadd.f32 v23, v8  }
0x81: {  	v30 =	vld [tilespmem:s24+$0x1B0];
	v33 =	vmul.f32 v24, v24;
	v9 =	vadd.f32 v57, v9;
	v12 =	vadd.f32 v55, v12  }
0x82: {  	v36 =	vld [tilespmem:s24+$0x1D0];
	v31 =	vmul.f32 v22, v22;
	v11 =	vadd.f32 v29, v11;
	v8 =	vadd.f32 v27, v8  }
0x83: {  	v34 =	vld [tilespmem:s24+$0x1F0];
	v37 =	vmul.f32 v28, v28;
	v9 =	vadd.f32 v61, v9;
	v12 =	vadd.f32 v59, v12  }
0x84: {  	v40 =	vld [tilespmem:s24+$0x210];
	v35 =	vmul.f32 v26, v26;
	v11 =	vadd.f32 v33, v11;
	v8 =	vadd.f32 v31, v8  }
0x85: {  	v38 =	vld [tilespmem:s24+$0x230];
	v41 =	vmul.f32 v32, v32;
	v9 =	vadd.f32 v22, v9;
	v12 =	vadd.f32 v63, v12  }
0x86: {  	v44 =	vld [tilespmem:s24+$0x250];
	v39 =	vmul.f32 v30, v30;
	v11 =	vadd.f32 v37, v11;
	v8 =	vadd.f32 v35, v8  }
0x87: {  	v42 =	vld [tilespmem:s24+$0x270];
	v45 =	vmul.f32 v36, v36;
	v9 =	vadd.f32 v26, v9;
	v12 =	vadd.f32 v24, v12  }
0x88: {  	v48 =	vld [tilespmem:s24+$0x290];
	v43 =	vmul.f32 v34, v34;
	v11 =	vadd.f32 v41, v11;
	v8 =	vadd.f32 v39, v8  }
0x89: {  	v46 =	vld [tilespmem:s24+$0x2B0];
	v49 =	vmul.f32 v40, v40;
	v9 =	vadd.f32 v30, v9;
	v12 =	vadd.f32 v28, v12  }
0x8a: {  	v50 =	vld [tilespmem:s24+$0x2F0];
	v47 =	vmul.f32 v38, v38;
	v11 =	vadd.f32 v45, v11;
	v8 =	vadd.f32 v43, v8  }
0x8b: {  	v52 =	vld [tilespmem:s24+$0x2D0];
	v53 =	vmul.f32 v44, v44;
	v9 =	vadd.f32 v34, v9;
	v12 =	vadd.f32 v32, v12  }
0x8c: {  	v54 =	vld [tilespmem:s24+$0x330];
	v51 =	vmul.f32 v42, v42;
	v11 =	vadd.f32 v49, v11;
	v8 =	vadd.f32 v47, v8  }
0x8d: {  	v56 =	vld [tilespmem:s24+$0x310];
	v57 =	vmul.f32 v48, v48;
	v9 =	vadd.f32 v38, v9;
	v12 =	vadd.f32 v36, v12  }
0x8e: {  	v55 =	vmul.f32 v46, v46;
	v11 =	vadd.f32 v53, v11;
	v8 =	vadd.f32 v51, v8  }
0x8f: {  	v58 =	vmul.f32 v50, v50;
	v9 =	vadd.f32 v42, v9;
	v12 =	vadd.f32 v40, v12  }
0x90: {  	v59 =	vmul.f32 v52, v52;
	v11 =	vadd.f32 v57, v11;
	v8 =	vadd.f32 v55, v8  }
0x91: {  	v60 =	vmul.f32 v54, v54;
	v9 =	vadd.f32 v46, v9;
	v12 =	vadd.f32 v44, v12  }
0x92: {  	v61 =	vmul.f32 v56, v56;
	v11 =	vadd.f32 v59, v11;
	v8 =	vadd.f32 v58, v8  }
0x93: {  	v9 =	vadd.f32 v50, v9;
	v12 =	vadd.f32 v48, v12  }
0x94: {  	v63 =	vadd.f32 v61, v11;
	v62 =	vadd.f32 v60, v8  }
0x95: {  	s25 =	simm.s32 $0xF0A0;
	v9 =	vadd.f32 v54, v9;
	v12 =	vadd.f32 v52, v12  }
0x96: {  	[tilespmem:s25+$0xFFFFFFE0] =	vst v0;
	v2 =	vadd.f32 v63, v3;
	v3 =	vadd.f32 v62, v5  }
0x97: {  	[tilespmem:s25+$0x0] =	vst v1;
	v12 =	vadd.f32 v56, v12  }
0x98: {  	[tilespmem:s25+$0x10] =	vst v9;
	v0 =	vadd.f32 v3, v2  }
0x99: {  	s28 =	simm.s32 $0x0;
	s26 =	simm.s32 $0x40;
	[tilespmem:s25+$0xFFFFFFF0] =	vst v12  }
.LBB2_3:
0x9a: {  	p0 =	sne.s32 s26, $0x7C0;
	[tilespmem:s28+$0xF880] =	vst v0;
	s24 =	sadd.s32 $0x680, s24;
	s25 =	sadd.s32 $0x40, s25  }
0x9b: {  	s28 =	smov.u32 s26;
	s26 =	sadd.s32 $0x40, s26;
	v1 =	vld [tilespmem:s24+$0xFFFFFD60]  }
0x9c: {  	v0 =	vld [tilespmem:s24+$0x300]  }
0x9d: {  	v2 =	vld [tilespmem:s24+$0xFFFFFD20]  }
0x9e: {  	v3 =	vld [tilespmem:s24+$0xFFFFFD00]  }
0x9f: {  	v4 =	vld [tilespmem:s24+$0xFFFFFD40]  }
0xa0: {  	v5 =	vld [tilespmem:s24+$0xFFFFFCE0]  }
0xa1: {  	v6 =	vld [tilespmem:s24+$0xFFFFFCC0]  }
0xa2: {  	v7 =	vld [tilespmem:s24+$0xFFFFFD80]  }
0xa3: {  	v8 =	vld [tilespmem:s24+$0xFFFFFDA0]  }
0xa4: {  	v9 =	vmul.f32 v2, v2;
	v10 =	vld [tilespmem:s24+$0xFFFFFDC0]  }
0xa5: {  	v12 =	vmul.f32 v3, v3;
	v11 =	vmul.f32 v5, v5;
	v2 =	vadd.f32 v2, v5;
	v5 =	vld [tilespmem:s24+$0xFFFFFDE0]  }
0xa6: {  	v13 =	vmul.f32 v6, v6;
	v3 =	vadd.f32 v3, v6;
	v6 =	vmul.f32 v1, v1;
	v14 =	vld [tilespmem:s24+$0xFFFFFE00]  }
0xa7: {  	v9 =	vadd.f32 v9, v11;
	v1 =	vadd.f32 v1, v2;
	v2 =	vmul.f32 v7, v7;
	v11 =	vld [tilespmem:s24+$0xFFFFFE20]  }
0xa8: {  	v12 =	vadd.f32 v12, v13;
	v13 =	vmul.f32 v4, v4;
	v15 =	vmul.f32 v8, v8;
	v16 =	vld [tilespmem:s24+$0xFFFFFE40]  }
0xa9: {  	v3 =	vadd.f32 v4, v3;
	v4 =	vadd.f32 v6, v9;
	v6 =	vmul.f32 v10, v10;
	v9 =	vld [tilespmem:s24+$0xFFFFFE60]  }
0xaa: {  	v1 =	vadd.f32 v8, v1;
	v12 =	vadd.f32 v13, v12;
	v8 =	vmul.f32 v5, v5;
	v13 =	vld [tilespmem:s24+$0xFFFFFE80]  }
0xab: {  	v3 =	vadd.f32 v7, v3;
	v4 =	vadd.f32 v15, v4;
	v7 =	vmul.f32 v14, v14;
	v15 =	vld [tilespmem:s24+$0xFFFFFEA0]  }
0xac: {  	v1 =	vadd.f32 v5, v1;
	v2 =	vadd.f32 v2, v12;
	v5 =	vmul.f32 v11, v11;
	v12 =	vld [tilespmem:s24+$0xFFFFFEC0]  }
0xad: {  	v3 =	vadd.f32 v10, v3;
	v4 =	vadd.f32 v8, v4;
	v8 =	vmul.f32 v16, v16;
	v10 =	vld [tilespmem:s24+$0xFFFFFEE0]  }
0xae: {  	v1 =	vadd.f32 v11, v1;
	v2 =	vadd.f32 v6, v2;
	v6 =	vmul.f32 v9, v9;
	v11 =	vld [tilespmem:s24+$0xFFFFFF00]  }
0xaf: {  	v3 =	vadd.f32 v14, v3;
	v4 =	vadd.f32 v5, v4;
	v5 =	vmul.f32 v13, v13;
	v14 =	vld [tilespmem:s24+$0xFFFFFF20]  }
0xb0: {  	v1 =	vadd.f32 v9, v1;
	v2 =	vadd.f32 v7, v2;
	v7 =	vmul.f32 v15, v15;
	v9 =	vld [tilespmem:s24+$0xFFFFFF40]  }
0xb1: {  	v3 =	vadd.f32 v16, v3;
	v4 =	vadd.f32 v6, v4;
	v6 =	vmul.f32 v12, v12;
	v16 =	vld [tilespmem:s24+$0xFFFFFF60]  }
0xb2: {  	v1 =	vadd.f32 v15, v1;
	v2 =	vadd.f32 v8, v2;
	v8 =	vmul.f32 v10, v10;
	v15 =	vld [tilespmem:s24+$0xFFFFFF80]  }
0xb3: {  	v3 =	vadd.f32 v13, v3;
	v4 =	vadd.f32 v7, v4;
	v7 =	vmul.f32 v11, v11;
	v13 =	vld [tilespmem:s24+$0xFFFFFFA0]  }
0xb4: {  	v1 =	vadd.f32 v10, v1;
	v2 =	vadd.f32 v5, v2;
	v5 =	vmul.f32 v14, v14;
	v10 =	vld [tilespmem:s24+$0xFFFFFFC0]  }
0xb5: {  	v3 =	vadd.f32 v12, v3;
	v4 =	vadd.f32 v8, v4;
	v8 =	vmul.f32 v9, v9;
	v12 =	vld [tilespmem:s24+$0xFFFFFFE0]  }
0xb6: {  	v1 =	vadd.f32 v14, v1;
	v2 =	vadd.f32 v6, v2;
	v6 =	vmul.f32 v16, v16;
	v14 =	vld [tilespmem:s24+$0x0]  }
0xb7: {  	v3 =	vadd.f32 v11, v3;
	v4 =	vadd.f32 v5, v4;
	v5 =	vmul.f32 v15, v15;
	v11 =	vld [tilespmem:s24+$0x20]  }
0xb8: {  	v1 =	vadd.f32 v16, v1;
	v2 =	vadd.f32 v7, v2;
	v7 =	vmul.f32 v13, v13;
	v16 =	vld [tilespmem:s24+$0x40]  }
0xb9: {  	v3 =	vadd.f32 v9, v3;
	v4 =	vadd.f32 v6, v4;
	v6 =	vmul.f32 v10, v10;
	v9 =	vld [tilespmem:s24+$0x60]  }
0xba: {  	v1 =	vadd.f32 v13, v1;
	v2 =	vadd.f32 v8, v2;
	v8 =	vmul.f32 v12, v12;
	v13 =	vld [tilespmem:s24+$0x80]  }
0xbb: {  	v3 =	vadd.f32 v15, v3;
	v4 =	vadd.f32 v7, v4;
	v7 =	vmul.f32 v14, v14;
	v15 =	vld [tilespmem:s24+$0xA0]  }
0xbc: {  	v1 =	vadd.f32 v12, v1;
	v2 =	vadd.f32 v5, v2;
	v5 =	vmul.f32 v11, v11;
	v12 =	vld [tilespmem:s24+$0xC0]  }
0xbd: {  	v3 =	vadd.f32 v10, v3;
	v4 =	vadd.f32 v8, v4;
	v8 =	vmul.f32 v16, v16;
	v10 =	vld [tilespmem:s24+$0xE0]  }
0xbe: {  	v1 =	vadd.f32 v11, v1;
	v2 =	vadd.f32 v6, v2;
	v6 =	vmul.f32 v9, v9;
	v11 =	vld [tilespmem:s24+$0x100]  }
0xbf: {  	v3 =	vadd.f32 v14, v3;
	v4 =	vadd.f32 v5, v4;
	v5 =	vmul.f32 v13, v13;
	v14 =	vld [tilespmem:s24+$0x120]  }
0xc0: {  	v1 =	vadd.f32 v9, v1;
	v2 =	vadd.f32 v7, v2;
	v7 =	vmul.f32 v15, v15;
	v9 =	vld [tilespmem:s24+$0x140]  }
0xc1: {  	v3 =	vadd.f32 v16, v3;
	v4 =	vadd.f32 v6, v4;
	v6 =	vmul.f32 v12, v12;
	v16 =	vld [tilespmem:s24+$0x160]  }
0xc2: {  	v1 =	vadd.f32 v15, v1;
	v2 =	vadd.f32 v8, v2;
	v8 =	vmul.f32 v10, v10;
	v15 =	vld [tilespmem:s24+$0x180]  }
0xc3: {  	v3 =	vadd.f32 v13, v3;
	v4 =	vadd.f32 v7, v4;
	v7 =	vmul.f32 v11, v11;
	v13 =	vld [tilespmem:s24+$0x1A0]  }
0xc4: {  	v1 =	vadd.f32 v10, v1;
	v2 =	vadd.f32 v5, v2;
	v5 =	vmul.f32 v14, v14;
	v10 =	vld [tilespmem:s24+$0x1C0]  }
0xc5: {  	v3 =	vadd.f32 v12, v3;
	v4 =	vadd.f32 v8, v4;
	v8 =	vmul.f32 v9, v9;
	v12 =	vld [tilespmem:s24+$0x1E0]  }
0xc6: {  	v1 =	vadd.f32 v14, v1;
	v2 =	vadd.f32 v6, v2;
	v6 =	vmul.f32 v16, v16;
	v14 =	vld [tilespmem:s24+$0x200]  }
0xc7: {  	v3 =	vadd.f32 v11, v3;
	v4 =	vadd.f32 v5, v4;
	v5 =	vmul.f32 v15, v15;
	v11 =	vld [tilespmem:s24+$0x220]  }
0xc8: {  	v1 =	vadd.f32 v16, v1;
	v2 =	vadd.f32 v7, v2;
	v7 =	vmul.f32 v13, v13;
	v16 =	vld [tilespmem:s24+$0x240]  }
0xc9: {  	v3 =	vadd.f32 v9, v3;
	v4 =	vadd.f32 v6, v4;
	v6 =	vmul.f32 v10, v10;
	v9 =	vld [tilespmem:s24+$0x260]  }
0xca: {  	v1 =	vadd.f32 v13, v1;
	v2 =	vadd.f32 v8, v2;
	v8 =	vmul.f32 v12, v12;
	v13 =	vld [tilespmem:s24+$0x280]  }
0xcb: {  	v3 =	vadd.f32 v15, v3;
	v4 =	vadd.f32 v7, v4;
	v7 =	vmul.f32 v14, v14;
	v15 =	vld [tilespmem:s24+$0x2A0]  }
0xcc: {  	v1 =	vadd.f32 v12, v1;
	v2 =	vadd.f32 v5, v2;
	v5 =	vmul.f32 v11, v11;
	v12 =	vld [tilespmem:s24+$0x2C0]  }
0xcd: {  	v3 =	vadd.f32 v10, v3;
	v4 =	vadd.f32 v8, v4;
	v8 =	vmul.f32 v16, v16;
	v10 =	vld [tilespmem:s24+$0x2E0]  }
0xce: {  	v2 =	vadd.f32 v6, v2;
	v6 =	vadd.f32 v11, v1;
	v11 =	vmul.f32 v9, v9;
	v1 =	vld [tilespmem:s24+$0x320]  }
0xcf: {  	v3 =	vadd.f32 v14, v3;
	v17 =	vld [tilespmem:s24+$0xFFFFFD30];
	v4 =	vadd.f32 v5, v4;
	v5 =	vmul.f32 v13, v13  }
0xd0: {  	v14 =	vld [tilespmem:s24+$0xFFFFFD10];
	v2 =	vadd.f32 v7, v2;
	v6 =	vadd.f32 v9, v6;
	v7 =	vmul.f32 v15, v15  }
0xd1: {  	v3 =	vadd.f32 v16, v3;
	v9 =	vld [tilespmem:s24+$0xFFFFFCF0];
	v4 =	vadd.f32 v11, v4;
	v11 =	vmul.f32 v12, v12  }
0xd2: {  	v16 =	vld [tilespmem:s24+$0xFFFFFCD0];
	v2 =	vadd.f32 v8, v2;
	v6 =	vadd.f32 v15, v6;
	v8 =	vmul.f32 v10, v10  }
0xd3: {  	v13 =	vadd.f32 v13, v3;
	v3 =	vmul.f32 v0, v0;
	v15 =	vld [tilespmem:s24+$0xFFFFFD70];
	v7 =	vadd.f32 v7, v4  }
0xd4: {  	v18 =	vld [tilespmem:s24+$0xFFFFFD50];
	v19 =	vadd.f32 v5, v2;
	v2 =	vadd.f32 v10, v6;
	v5 =	vmul.f32 v1, v1  }
0xd5: {  	v10 =	vmul.f32 v17, v17;
	v4 =	vadd.f32 v12, v13;
	v20 =	vld [tilespmem:s24+$0xFFFFFDB0];
	v6 =	vadd.f32 v8, v7  }
0xd6: {  	v8 =	vmul.f32 v9, v9;
	v9 =	vadd.f32 v17, v9;
	v12 =	vld [tilespmem:s24+$0xFFFFFD90];
	v7 =	vadd.f32 v11, v19  }
0xd7: {  	v11 =	vmul.f32 v16, v16;
	v13 =	vadd.f32 v14, v16;
	v14 =	vmul.f32 v14, v14;
	v16 =	vld [tilespmem:s24+$0xFFFFFDF0]  }
0xd8: {  	v8 =	vadd.f32 v10, v8;
	v9 =	vadd.f32 v15, v9;
	v10 =	vmul.f32 v15, v15;
	v15 =	vld [tilespmem:s24+$0xFFFFFDD0]  }
0xd9: {  	v11 =	vadd.f32 v14, v11;
	v13 =	vadd.f32 v18, v13;
	v14 =	vmul.f32 v18, v18;
	v17 =	vld [tilespmem:s24+$0xFFFFFE30]  }
0xda: {  	v8 =	vadd.f32 v10, v8;
	v9 =	vadd.f32 v20, v9;
	v10 =	vmul.f32 v20, v20;
	v18 =	vld [tilespmem:s24+$0xFFFFFE10]  }
0xdb: {  	v11 =	vadd.f32 v14, v11;
	v13 =	vadd.f32 v12, v13;
	v12 =	vmul.f32 v12, v12;
	v14 =	vld [tilespmem:s24+$0xFFFFFE70]  }
0xdc: {  	v8 =	vadd.f32 v10, v8;
	v9 =	vadd.f32 v16, v9;
	v10 =	vmul.f32 v16, v16;
	v16 =	vld [tilespmem:s24+$0xFFFFFE50]  }
0xdd: {  	v11 =	vadd.f32 v12, v11;
	v12 =	vadd.f32 v15, v13;
	v13 =	vmul.f32 v15, v15;
	v15 =	vld [tilespmem:s24+$0xFFFFFEB0]  }
0xde: {  	v8 =	vadd.f32 v10, v8;
	v9 =	vadd.f32 v17, v9;
	v10 =	vmul.f32 v17, v17;
	v17 =	vld [tilespmem:s24+$0xFFFFFE90]  }
0xdf: {  	v11 =	vadd.f32 v13, v11;
	v12 =	vadd.f32 v18, v12;
	v13 =	vmul.f32 v18, v18;
	v18 =	vld [tilespmem:s24+$0xFFFFFEF0]  }
0xe0: {  	v8 =	vadd.f32 v10, v8;
	v9 =	vadd.f32 v14, v9;
	v10 =	vmul.f32 v14, v14;
	v14 =	vld [tilespmem:s24+$0xFFFFFED0]  }
0xe1: {  	v11 =	vadd.f32 v13, v11;
	v12 =	vadd.f32 v16, v12;
	v13 =	vmul.f32 v16, v16;
	v16 =	vld [tilespmem:s24+$0xFFFFFF30]  }
0xe2: {  	v8 =	vadd.f32 v10, v8;
	v9 =	vadd.f32 v15, v9;
	v10 =	vmul.f32 v15, v15;
	v15 =	vld [tilespmem:s24+$0xFFFFFF10]  }
0xe3: {  	v11 =	vadd.f32 v13, v11;
	v12 =	vadd.f32 v17, v12;
	v13 =	vmul.f32 v17, v17;
	v17 =	vld [tilespmem:s24+$0xFFFFFF70]  }
0xe4: {  	v8 =	vadd.f32 v10, v8;
	v9 =	vadd.f32 v18, v9;
	v10 =	vmul.f32 v18, v18;
	v18 =	vld [tilespmem:s24+$0xFFFFFF50]  }
0xe5: {  	v11 =	vadd.f32 v13, v11;
	v12 =	vadd.f32 v14, v12;
	v13 =	vmul.f32 v14, v14;
	v14 =	vld [tilespmem:s24+$0xFFFFFFB0]  }
0xe6: {  	v8 =	vadd.f32 v10, v8;
	v9 =	vadd.f32 v16, v9;
	v10 =	vmul.f32 v16, v16;
	v16 =	vld [tilespmem:s24+$0xFFFFFF90]  }
0xe7: {  	v11 =	vadd.f32 v13, v11;
	v12 =	vadd.f32 v15, v12;
	v13 =	vmul.f32 v15, v15;
	v15 =	vld [tilespmem:s24+$0xFFFFFFF0]  }
0xe8: {  	v8 =	vadd.f32 v10, v8;
	v9 =	vadd.f32 v17, v9;
	v10 =	vmul.f32 v17, v17;
	v17 =	vld [tilespmem:s24+$0xFFFFFFD0]  }
0xe9: {  	v11 =	vadd.f32 v13, v11;
	v12 =	vadd.f32 v18, v12;
	v13 =	vmul.f32 v18, v18;
	v18 =	vld [tilespmem:s24+$0x30]  }
0xea: {  	v8 =	vadd.f32 v10, v8;
	v9 =	vadd.f32 v14, v9;
	v10 =	vmul.f32 v14, v14;
	v14 =	vld [tilespmem:s24+$0x10]  }
0xeb: {  	v11 =	vadd.f32 v13, v11;
	v12 =	vadd.f32 v16, v12;
	v13 =	vmul.f32 v16, v16;
	v16 =	vld [tilespmem:s24+$0x70]  }
0xec: {  	v8 =	vadd.f32 v10, v8;
	v9 =	vadd.f32 v15, v9;
	v10 =	vmul.f32 v15, v15;
	v15 =	vld [tilespmem:s24+$0x50]  }
0xed: {  	v11 =	vadd.f32 v13, v11;
	v12 =	vadd.f32 v17, v12;
	v13 =	vmul.f32 v17, v17;
	v17 =	vld [tilespmem:s24+$0xB0]  }
0xee: {  	v8 =	vadd.f32 v10, v8;
	v9 =	vadd.f32 v18, v9;
	v10 =	vmul.f32 v18, v18;
	v18 =	vld [tilespmem:s24+$0x90]  }
0xef: {  	v11 =	vadd.f32 v13, v11;
	v12 =	vadd.f32 v14, v12;
	v13 =	vmul.f32 v14, v14;
	v14 =	vld [tilespmem:s24+$0xF0]  }
0xf0: {  	v8 =	vadd.f32 v10, v8;
	v9 =	vadd.f32 v16, v9;
	v10 =	vmul.f32 v16, v16;
	v16 =	vld [tilespmem:s24+$0xD0]  }
0xf1: {  	v11 =	vadd.f32 v13, v11;
	v12 =	vadd.f32 v15, v12;
	v13 =	vmul.f32 v15, v15;
	v15 =	vld [tilespmem:s24+$0x130]  }
0xf2: {  	v8 =	vadd.f32 v10, v8;
	v9 =	vadd.f32 v17, v9;
	v10 =	vmul.f32 v17, v17;
	v17 =	vld [tilespmem:s24+$0x110]  }
0xf3: {  	v11 =	vadd.f32 v13, v11;
	v12 =	vadd.f32 v18, v12;
	v13 =	vmul.f32 v18, v18;
	v18 =	vld [tilespmem:s24+$0x170]  }
0xf4: {  	v8 =	vadd.f32 v10, v8;
	v9 =	vadd.f32 v14, v9;
	v10 =	vmul.f32 v14, v14;
	v14 =	vld [tilespmem:s24+$0x150]  }
0xf5: {  	v11 =	vadd.f32 v13, v11;
	v12 =	vadd.f32 v16, v12;
	v13 =	vmul.f32 v16, v16;
	v16 =	vld [tilespmem:s24+$0x1B0]  }
0xf6: {  	v8 =	vadd.f32 v10, v8;
	v9 =	vadd.f32 v15, v9;
	v10 =	vmul.f32 v15, v15;
	v15 =	vld [tilespmem:s24+$0x190]  }
0xf7: {  	v11 =	vadd.f32 v13, v11;
	v12 =	vadd.f32 v17, v12;
	v13 =	vmul.f32 v17, v17;
	v17 =	vld [tilespmem:s24+$0x1F0]  }
0xf8: {  	v8 =	vadd.f32 v10, v8;
	v9 =	vadd.f32 v18, v9;
	v10 =	vmul.f32 v18, v18;
	v18 =	vld [tilespmem:s24+$0x1D0]  }
0xf9: {  	v11 =	vadd.f32 v13, v11;
	v12 =	vadd.f32 v14, v12;
	v13 =	vmul.f32 v14, v14;
	v14 =	vld [tilespmem:s24+$0x230]  }
0xfa: {  	v8 =	vadd.f32 v10, v8;
	v9 =	vadd.f32 v16, v9;
	v10 =	vmul.f32 v16, v16;
	v16 =	vld [tilespmem:s24+$0x210]  }
0xfb: {  	v11 =	vadd.f32 v13, v11;
	v12 =	vadd.f32 v15, v12;
	v13 =	vmul.f32 v15, v15;
	v15 =	vld [tilespmem:s24+$0x270]  }
0xfc: {  	v8 =	vadd.f32 v10, v8;
	v9 =	vadd.f32 v17, v9;
	v10 =	vmul.f32 v17, v17;
	v17 =	vld [tilespmem:s24+$0x250]  }
0xfd: {  	v11 =	vadd.f32 v13, v11;
	v12 =	vadd.f32 v18, v12;
	v13 =	vmul.f32 v18, v18;
	v18 =	vld [tilespmem:s24+$0x2B0]  }
0xfe: {  	v8 =	vadd.f32 v10, v8;
	v9 =	vadd.f32 v14, v9;
	v10 =	vmul.f32 v14, v14;
	v14 =	vld [tilespmem:s24+$0x290]  }
0xff: {  	v11 =	vadd.f32 v13, v11;
	v12 =	vadd.f32 v16, v12;
	v13 =	vmul.f32 v16, v16;
	v16 =	vld [tilespmem:s24+$0x2F0]  }
0x100: {  	v8 =	vadd.f32 v10, v8;
	v9 =	vadd.f32 v15, v9;
	v10 =	vmul.f32 v15, v15;
	v15 =	vld [tilespmem:s24+$0x2D0]  }
0x101: {  	v11 =	vadd.f32 v13, v11;
	v12 =	vadd.f32 v17, v12;
	v13 =	vmul.f32 v17, v17;
	v17 =	vld [tilespmem:s24+$0x330]  }
0x102: {  	v8 =	vadd.f32 v10, v8;
	v9 =	vadd.f32 v18, v9;
	v10 =	vmul.f32 v18, v18;
	v18 =	vld [tilespmem:s24+$0x310]  }
0x103: {  	v11 =	vadd.f32 v13, v11;
	v12 =	vadd.f32 v14, v12;
	v13 =	vmul.f32 v14, v14  }
0x104: {  	v8 =	vadd.f32 v10, v8;
	v9 =	vadd.f32 v16, v9;
	v10 =	vmul.f32 v16, v16  }
0x105: {  	v11 =	vadd.f32 v13, v11;
	v12 =	vadd.f32 v15, v12;
	v13 =	vmul.f32 v15, v15  }
0x106: {  	v8 =	vadd.f32 v10, v8;
	v9 =	vadd.f32 v17, v9;
	v10 =	vmul.f32 v17, v17  }
0x107: {  	v11 =	vadd.f32 v13, v11;
	v12 =	vadd.f32 v18, v12;
	v13 =	vmul.f32 v18, v18  }
0x108: {  	v5 =	vadd.f32 v5, v6;
	v6 =	vadd.f32 v10, v8;
	[tilespmem:s25+$0x10] =	vst v9  }
0x109: {  	v3 =	vadd.f32 v3, v7;
	v7 =	vadd.f32 v13, v11;
	[tilespmem:s25+$0xFFFFFFF0] =	vst v12  }
.Ltmp0:
0x10a: {  	v0 =	vadd.f32 v0, v4;
	v1 =	vadd.f32 v1, v2;
	(pc) =	sbr.rel @p0 .LBB2_3-.Ltmp0, $4  }
0x10b: {  	v2 =	vadd.f32 v7, v3;
	v3 =	vadd.f32 v6, v5  }
0x10c: {  	[tilespmem:s25+$0xFFFFFFE0] =	vst v0  }
0x10d: {  	[tilespmem:s25+$0x0] =	vst v1;
	v0 =	vadd.f32 v3, v2  }
0x10e: {  	s28 =	sshra.s32 s28, $0x2  }
0x10f: {  	s24 =	sshll.u32 s23, $0x3  }
0x110: {  	[tilespmem:s28+$0xF880] =	vst v0;
	s24 =	sadd.s32 s7, s24  }
0x111: {  	[hbm4b:s24+s1] =	stream.linear.scatter [tilespmem:s18], [sflag:$0x3], $0x800, $0x38;
	[tilespmem:$0xFA80] =	vst v63  }
0x112: {  	_ =	swait.ge [sflag:s12], $0x800  }
0x113: {  	s31 =	sshll.u32 s23, $0x1;
	[sflag:s12] =	ssyncset.done $0x0  }
0x114: {  	s23 =	sadd.s32 s8, s31;
	[sflag:s12] =	ssyncadd.s32 $0xFFFFF800  }
0x115: {  	[hbm4b:s23+s1] =	stream.linear.scatter [tilespmem:s19], [sflag:$0x3], $0x200, $0x38;
	[tilespmem:$0xFA80] =	vst v63  }
0x116: {  	s21 =	sadd.s32 $0x1, s21;
	_ =	swait.ge [sflag:s12], $0x200  }
0x117: {  	p0 =	sne.s32 s21, $0x10;
	[sflag:s12] =	ssyncset.done $0x0  }
.Ltmp1:
0x118: {  	s22 =	sadd.s32 s9, s22;
	[sflag:s12] =	ssyncadd.s32 $0xFFFFFE00;
	(pc) =	sbr.rel @p0 .LBB2_2-.Ltmp1, $4  }
0x119: {  	[hbm4b:s22+s1] =	stream.linear.scatter [tilespmem:s15], [sflag:$0x3], $0x1A00, $0x38;
	[tilespmem:$0xFA80] =	vst v63  }
0x11a: {  	_ =	swait.ge [sflag:s12], $0x1A00  }
0x11b: {  	[sflag:s12] =	ssyncset.done $0x0  }
0x11c: {  	[sflag:s12] =	ssyncadd.s32 $0xFFFFE600  }
0x11d: {  	s20 =	sadd.s32 $0x1, s20  }
0x11e: {  	p0 =	sne.s32 s20, s11  }
.Ltmp2:
0x11f: {  	_ = 	snop;
	(pc) =	sbr.rel @p0 .LBB2_1-.Ltmp2, $1  }
0x120: {  	_ =	sdelay $0x3  }
0x121: {  	_ =	sfence.sel $0x180000  }
0x122: {  	[bflag:$0x0] =	sbarrier.arrive $0xFFFF  }
0x123: {  	p0 =	sne.s32 s5, $0x0;
	_ =	strace $0x90000047  }
0x124: {  	s0 =	sadd.s32 @!p0 $0x100000, s0;
	[bflag:$0x2] =	sbarrier.arrive $0xFFFF  }
0x125: {  	[sflag:s0] =	ssyncadd.tile.s32 @!p0 $0x1;
	_ =	shalt  }
.Lfunc_end2:
_tile_overlayer_lowered:
.L_overlay_start_2:
0x126: {  	(tag) =	ssettag $0x2  }
0x127: {  	s0 =	rddreg [dreg:$0x0];
	s2 =	stileid.u32  }
0x128: {  	s1 =	rddreg [dreg:$0x1];
	p0 =	sne.s32 s2, $0x0  }
0x129: {  	s3 =	rddreg [dreg:$0x2];
	[bflag:$0x3] =	sbarrier.arrive $0xFFFF;
	s2 =	simm.s32 @!p0 $0x1C03  }
0x12a: {  	[timem:s3], [sflag:s2] =	dma.local @!p0 [hbm:s0], s1  }
0x12b: {  	s0 =	simm.s32 @!p0 $0x3  }
0x12c: {  	_ =	swait.ge @!p0 [sflag:s0], s1  }
0x12d: {  	s1 =	ssub.s32 @!p0 $0x0, s1;
	[sflag:s0] =	ssyncset.done @!p0 $0x0  }
0x12e: {  	[sflag:s0] =	ssyncadd.s32 @!p0 s1  }
0x12f: {  	[bflag:$0x3] =	sbarrier.arrive $0xFFFF  }
0x130: {  	_ =	shalt  }

</sc_bundles>
